<compile_context>
chip_gen: v7x
topology: tpu7x:2x2x1
jax: 0.10.2.dev20260603
libtpu: 0.0.44.dev20260713+nightly
codegen_flags: <defaults>
</compile_context>

<pallas_src>
import jax
import jax.numpy as jnp
from jax.experimental import pallas as pl
from jax.experimental.pallas import tpu as pltpu
from jax.experimental.pallas import tpu_sc as plsc

B, T, V, D, H, O = 128, 50, 1000, 128, 256, 1000
_GATHER_WINDOW = 128
_BT = 64
_UNROLL = 10
_NS = T // _UNROLL
_F32 = jnp.float32
_BF16 = jnp.bfloat16


def _sc_gather(table, idx_flat):
    n = idx_flat.shape[0]
    idx2 = idx_flat.reshape(1, n)
    mesh = plsc.VectorSubcoreMesh(core_axis_name="core", subcore_axis_name="subcore")

    @pl.kernel(out_type=jax.ShapeDtypeStruct((n, D), table.dtype), mesh=mesh)
    def gather_kernel(tab_hbm, i_hbm, o_hbm):
        def body(i_vmem, o_vmem):
            pltpu.sync_copy(tab_hbm.at[i_vmem.at[0]], o_vmem)

        pltpu.emit_pipeline(
            body,
            grid=(n // _GATHER_WINDOW,),
            in_specs=[pl.BlockSpec((1, _GATHER_WINDOW), index_map=lambda i: (0, i))],
            out_specs=[pl.BlockSpec((_GATHER_WINDOW, D), index_map=lambda i: (i, 0))],
            core_axis_name=("core", "subcore"),
            dimension_semantics=(pltpu.PARALLEL,),
        )(i_hbm, o_hbm)

    return gather_kernel(table, idx2)


def _dot_t(x, w):
    return jax.lax.dot_general(x, w, (((1,), (1,)), ((), ())),
                               preferred_element_type=_F32)


def _body(emb_ref, hp_ref, cp_ref, wi0_ref, wh0_ref, b0_ref,
          wi1_ref, wh1_ref, b1_ref,
          out1_ref, hT_ref, cT_ref, h0s, c0s, h1s, c1s):
    t = pl.program_id(0)

    @pl.when(t == 0)
    def _():
        h0s[...] = hp_ref[0]
        c0s[...] = cp_ref[0]
        h1s[...] = hp_ref[1]
        c1s[...] = cp_ref[1]

    def gates_apply(g, cs, hs):
        i = jax.nn.sigmoid(g[:, 0 * H:1 * H])
        f = jax.nn.sigmoid(g[:, 1 * H:2 * H])
        gg = jnp.tanh(g[:, 2 * H:3 * H])
        o = jax.nn.sigmoid(g[:, 3 * H:4 * H])
        c_new = f * cs[...] + i * gg
        h_new = o * jnp.tanh(c_new)
        cs[...] = c_new
        hs[...] = h_new
        return h_new

    xb = emb_ref[...].reshape(_UNROLL * B, D).astype(_BF16)
    g0all = _dot_t(xb, wi0_ref[...]) + b0_ref[...]

    for k in range(_UNROLL):
        g0 = g0all[k * B:(k + 1) * B]
        g0 = g0 + _dot_t(h0s[...].astype(_BF16), wh0_ref[...])
        h0n = gates_apply(g0, c0s, h0s)
        g1 = _dot_t(h0n.astype(_BF16), wi1_ref[...])
        g1 = g1 + _dot_t(h1s[...].astype(_BF16), wh1_ref[...])
        g1 = g1 + b1_ref[...]
        out1_ref[k] = gates_apply(g1, c1s, h1s).astype(_BF16)

    @pl.when(t == _NS - 1)
    def _():
        hT_ref[0] = h0s[...]
        hT_ref[1] = h1s[...]
        cT_ref[0] = c0s[...]
        cT_ref[1] = c1s[...]


def _lstm_scan(emb_tb, h_prev, c_prev, wi0, wh0, b0, wi1, wh1, b1):
    full = lambda shape: pl.BlockSpec(shape, lambda t: tuple(0 for _ in shape))
    return pl.pallas_call(
        _body,
        grid=(_NS,),
        in_specs=[
            pl.BlockSpec((_UNROLL, B, D), lambda t: (t, 0, 0)),
            full((2, B, H)),
            full((2, B, H)),
            full((4 * H, D)),
            full((4 * H, H)),
            full((1, 4 * H)),
            full((4 * H, H)),
            full((4 * H, H)),
            full((1, 4 * H)),
        ],
        out_specs=[
            pl.BlockSpec((_UNROLL, B, H), lambda t: (t, 0, 0)),
            full((2, B, H)),
            full((2, B, H)),
        ],
        out_shape=[
            jax.ShapeDtypeStruct((T, B, H), _BF16),
            jax.ShapeDtypeStruct((2, B, H), _F32),
            jax.ShapeDtypeStruct((2, B, H), _F32),
        ],
        scratch_shapes=[pltpu.VMEM((B, H), _F32) for _ in range(4)],
    )(emb_tb, h_prev, c_prev, wi0, wh0, b0, wi1, wh1, b1)


def _fc_body(out1_ref, fw_ref, fb_ref, logT_ref):
    y = jnp.swapaxes(out1_ref[...], 0, 1)
    y2 = y.reshape(_BT * T, H)
    z = jax.lax.dot_general(fw_ref[...], y2, (((1,), (1,)), ((), ())),
                            preferred_element_type=_F32)
    logT_ref[...] = z + fb_ref[...]


def _fc(out1, fw, fb):
    return pl.pallas_call(
        _fc_body,
        grid=(B // _BT,),
        in_specs=[
            pl.BlockSpec((T, _BT, H), lambda i: (0, i, 0)),
            pl.BlockSpec((O, H), lambda i: (0, 0)),
            pl.BlockSpec((O, 1), lambda i: (0, 0)),
        ],
        out_specs=pl.BlockSpec((O, _BT * T), lambda i: (0, i)),
        out_shape=jax.ShapeDtypeStruct((O, B * T), _F32),
    )(out1, fw, fb)


def kernel(x, h_prev, c_prev, emb_table, W_ih0, W_hh0, b_ih0, b_hh0,
           W_ih1, W_hh1, b_ih1, b_hh1, fc_W, fc_b):
    idx = x.T.reshape(-1).astype(jnp.int32)
    emb = _sc_gather(emb_table, idx)
    emb_tb = emb.reshape(T, B, D)
    b0 = (b_ih0 + b_hh0).reshape(1, 4 * H)
    b1 = (b_ih1 + b_hh1).reshape(1, 4 * H)
    out1, hT, cT = _lstm_scan(emb_tb, h_prev, c_prev,
                              W_ih0.astype(_BF16), W_hh0.astype(_BF16), b0,
                              W_ih1.astype(_BF16), W_hh1.astype(_BF16), b1)
    logT = _fc(out1, fc_W.astype(_BF16), fc_b.reshape(O, 1))
    return (logT.T, hT, cT)

# --- scband reference (transcript-rebuilt; emitter-appended) ---
"""Pipeline reference for scband-lstm-88888643158022 (READ-ONLY COPY).

The authoritative reference and input builder live on the scoring server;
editing this copy changes nothing except your own understanding.
"""

import jax, jax.numpy as jnp
import numpy as np

B, T, V, D, H, L, O = 128, 50, 1000, 128, 256, 2, 1000


def _uinit(k, shape, fan):
    bound = 1.0 / np.sqrt(fan)
    return jax.random.uniform(k, shape, jnp.float32, -bound, bound)


def setup_inputs(seed: int = 0) -> dict:
    key = jax.random.key(seed)
    ks = jax.random.split(key, 14)
    x = jax.random.randint(ks[0], (B, T), 0, V)
    h_prev = jnp.zeros((L, B, H), jnp.float32)
    c_prev = jnp.zeros((L, B, H), jnp.float32)
    emb_table = jax.random.normal(ks[1], (V, D), jnp.float32)
    emb_table = emb_table.at[1].set(0.0)  # padding_idx=1
    W_ih0 = _uinit(ks[2], (4 * H, D), H)
    W_hh0 = _uinit(ks[3], (4 * H, H), H)
    b_ih0 = _uinit(ks[4], (4 * H,), H)
    b_hh0 = _uinit(ks[5], (4 * H,), H)
    W_ih1 = _uinit(ks[6], (4 * H, H), H)
    W_hh1 = _uinit(ks[7], (4 * H, H), H)
    b_ih1 = _uinit(ks[8], (4 * H,), H)
    b_hh1 = _uinit(ks[9], (4 * H,), H)
    fc_W = _uinit(ks[10], (O, H), H)
    fc_b = _uinit(ks[11], (O,), H)
    return {"x": x, "h_prev": h_prev, "c_prev": c_prev, "emb_table": emb_table,
            "W_ih0": W_ih0, "W_hh0": W_hh0, "b_ih0": b_ih0, "b_hh0": b_hh0,
            "W_ih1": W_ih1, "W_hh1": W_hh1, "b_ih1": b_ih1, "b_hh1": b_hh1,
            "fc_W": fc_W, "fc_b": fc_b}


def _lstm_layer(xs, h0, c0, Wih, Whh, bih, bhh):
    # xs: [B, T, Din] -> scan over time; torch gate order i, f, g, o
    def step(carry, x_t):
        h, c = carry
        gates = x_t @ Wih.T + bih + h @ Whh.T + bhh
        i = jax.nn.sigmoid(gates[:, 0 * H:1 * H])
        f = jax.nn.sigmoid(gates[:, 1 * H:2 * H])
        g = jnp.tanh(gates[:, 2 * H:3 * H])
        o = jax.nn.sigmoid(gates[:, 3 * H:4 * H])
        c2 = f * c + i * g
        h2 = o * jnp.tanh(c2)
        return (h2, c2), h2
    (hT, cT), ys = jax.lax.scan(step, (h0, c0), jnp.swapaxes(xs, 0, 1))
    return jnp.swapaxes(ys, 0, 1), hT, cT


def reference(x, h_prev, c_prev, emb_table, W_ih0, W_hh0, b_ih0, b_hh0,
              W_ih1, W_hh1, b_ih1, b_hh1, fc_W, fc_b):
    emb = jnp.take(emb_table, x, axis=0)  # [B, T, D]
    out0, h0, c0 = _lstm_layer(emb, h_prev[0], c_prev[0], W_ih0, W_hh0, b_ih0, b_hh0)
    out1, h1, c1 = _lstm_layer(out0, h_prev[1], c_prev[1], W_ih1, W_hh1, b_ih1, b_hh1)
    logits = out1.reshape(-1, H) @ fc_W.T + fc_b  # [B*T, O]
    h = jnp.stack([h0, h1], axis=0)
    c = jnp.stack([c0, c1], axis=0)
    return (logits, h, c)

if __name__ == "__main__":
    import jax
    _d = setup_inputs()
    print(jax.jit(kernel)(*tuple(_d.values())))

</pallas_src>

<mosaic_0001>
#map = affine_map<(d0, d1) -> (0, 0)>
module attributes {stable_mosaic.version = 14 : i64} {
  func.func @gather_kernel(%arg0: i32, %arg1: i32, %arg2: memref<1000x128xf32, #tpu.memory_space<hbm>>, %arg3: memref<1x6400xi32, #tpu.memory_space<hbm>>, %arg4: memref<6400x128xf32, #tpu.memory_space<hbm>>) attributes {dimension_semantics = [#tpu.dimension_semantics<core_parallel>, #tpu.dimension_semantics<subcore_parallel>], iteration_bounds = array<i64: 2, 16>, scalar_prefetch = 0 : i64, scratch_operands = 0 : i64, tpu.core_type = #tpu.core_type<sc_vector_subcore>, window_params = [{transform_indices = #map}, {transform_indices = #map}, {transform_indices = #map}]} {
    %mul3A = arith.constant 1 : i32
    %mul3A_0 = arith.muli %arg1, %mul3A : i32
    %add3A = arith.constant 0 : i32
    %add3A_1 = arith.addi %add3A, %mul3A_0 : i32
    %mul3A_2 = arith.constant 16 : i32
    %mul3A_3 = arith.muli %arg0, %mul3A_2 : i32
    %add3A_4 = arith.addi %add3A_1, %mul3A_3 : i32
    %lt3A = arith.constant 18 : i32
    %lt3A_5 = arith.cmpi slt, %add3A_4, %lt3A : i32
    %jit3A = arith.constant 2 : i32
    %jit3A_6 = arith.constant 1 : i32
    %select_n3A = arith.select %lt3A_5, %jit3A, %jit3A_6 : i32
    %lt3A_7 = arith.constant 18 : i32
    %lt3A_8 = arith.cmpi slt, %add3A_4, %lt3A_7 : i32
    %mul3A_9 = arith.muli %add3A_4, %select_n3A : i32
    %mul3A_10 = arith.constant 1 : i32
    %mul3A_11 = arith.muli %add3A_4, %mul3A_10 : i32
    %add3A_12 = arith.constant 18 : i32
    %add3A_13 = arith.addi %mul3A_11, %add3A_12 : i32
    %select_n3A_14 = arith.select %lt3A_8, %mul3A_9, %add3A_13 : i32
    %mul3A_15 = arith.constant 1 : i32
    %mul3A_16 = arith.muli %mul3A_15, %select_n3A : i32
    "tpu.region"() ({
      %run_scoped3A = memref.alloca() : memref<2x1x128xi32, #tpu.memory_space<vmem>>
      %run_scoped3A_17 = tpu.sem_alloc : memref<2x!tpu.dma_semaphore, #tpu.memory_space<semaphore_mem>>
      %run_scoped3A_18 = memref.alloca() : memref<2x128x128xf32, #tpu.memory_space<vmem>>
      %run_scoped3A_19 = tpu.sem_alloc : memref<2x!tpu.dma_semaphore, #tpu.memory_space<semaphore_mem>>
      %gt3A = arith.constant 0 : i32
      %gt3A_20 = arith.cmpi sgt, %mul3A_16, %gt3A : i32
      %convert_element_type3A = arith.extui %gt3A_20 : i1 to i32
      %cond3A = arith.constant 0 : i32
      %cond3A_21 = arith.cmpi ne, %convert_element_type3A, %cond3A : i32
      scf.if %cond3A_21 {
        %mul3A_22 = arith.constant 1 : i32
        %mul3A_23 = arith.muli %mul3A_22, %select_n3A : i32
        %sub3A = arith.constant 1 : i32
        %sub3A_24 = arith.subi %mul3A_23, %sub3A : i32
        %eq3A = arith.constant 0 : i32
        %eq3A_25 = arith.cmpi eq, %sub3A_24, %eq3A : i32
        %add3A_26 = arith.constant 0 : i32
        %add3A_27 = arith.addi %add3A_26, %select_n3A_14 : i32
        %select_n3A_28 = arith.constant true
        %select_n3A_29 = arith.constant 0 : i32
        %select_n3A_30 = arith.constant -1 : i32
        %select_n3A_31 = arith.select %select_n3A_28, %select_n3A_30, %select_n3A_29 : i32
        %eq3A_32 = arith.constant -1 : i32
        %eq3A_33 = arith.cmpi eq, %select_n3A_31, %eq3A_32 : i32
        %sub3A_34 = arith.constant 1 : i32
        %sub3A_35 = arith.subi %select_n3A, %sub3A_34 : i32
        %select_n3A_36 = arith.select %eq3A_33, %sub3A_35, %select_n3A_31 : i32
        %add3A_37 = arith.addi %select_n3A_36, %select_n3A_14 : i32
        %select_n3A_38 = arith.constant true
        %select_n3A_39 = arith.constant 0 : i32
        %select_n3A_40 = arith.constant 1 : i32
        %select_n3A_41 = arith.select %select_n3A_38, %select_n3A_40, %select_n3A_39 : i32
        %eq3A_42 = arith.cmpi eq, %select_n3A_41, %select_n3A : i32
        %select_n3A_43 = arith.constant 0 : i32
        %select_n3A_44 = arith.select %eq3A_42, %select_n3A_43, %select_n3A_41 : i32
        %add3A_45 = arith.addi %select_n3A_44, %select_n3A_14 : i32
        %add3A_46 = arith.constant 1 : i32
        %add3A_47 = arith.addi %select_n3A_44, %add3A_46 : i32
        %select_n3A_48 = arith.constant true
        %select_n3A_49 = arith.select %select_n3A_48, %add3A_47, %select_n3A_44 : i32
        %eq3A_50 = arith.cmpi eq, %select_n3A_49, %select_n3A : i32
        %select_n3A_51 = arith.constant 0 : i32
        %select_n3A_52 = arith.select %eq3A_50, %select_n3A_51, %select_n3A_49 : i32
        %add3A_53 = arith.addi %select_n3A_52, %select_n3A_14 : i32
        "tpu.trace_start"() <{level = 10 : i32, message = "ep_initialize_0"}> : () -> ()
        %rem3A = arith.constant 0 : i32
        %rem3A_54 = arith.constant 2 : i32
        %rem3A_55 = arith.remui %rem3A, %rem3A_54 : i32
        %mul3A_56 = arith.constant 128 : i32
        %mul3A_57 = arith.muli %mul3A_56, %add3A_27 : i32
        %dma_start3A = arith.constant 0 : i32
        %dma_start3A_58 = arith.constant 0 : i32
        %dma_start3A_59 = tpu.memref_slice %run_scoped3A[%rem3A_55, %dma_start3A, %dma_start3A_58] : memref<2x1x128xi32, #tpu.memory_space<vmem>> -> memref<1x1x128xi32, #tpu.memory_space<vmem>>
        %dma_start3A_60 = tpu.memref_squeeze %dma_start3A_59 : memref<1x1x128xi32, #tpu.memory_space<vmem>> -> memref<1x128xi32, #tpu.memory_space<vmem>>
        %dma_start3A_61 = arith.constant 0 : i32
        %dma_start3A_62 = tpu.memref_slice %arg3[%dma_start3A_61, %mul3A_57] : memref<1x6400xi32, #tpu.memory_space<hbm>> -> memref<1x128xi32, #tpu.memory_space<hbm>>
        %dma_start3A_63 = tpu.memref_slice %run_scoped3A_17[%rem3A_55] : memref<2x!tpu.dma_semaphore, #tpu.memory_space<semaphore_mem>> -> memref<1x!tpu.dma_semaphore, #tpu.memory_space<semaphore_mem>>
        %dma_start3A_64 = tpu.memref_squeeze %dma_start3A_63 : memref<1x!tpu.dma_semaphore, #tpu.memory_space<semaphore_mem>> -> memref<!tpu.dma_semaphore, #tpu.memory_space<semaphore_mem>>
        %dma_start3A_65 = arith.constant 0 : i32
        %dma_start3A_66 = arith.constant 0 : i32
        %dma_start3A_67 = tpu.memref_slice %run_scoped3A[%rem3A_55, %dma_start3A_65, %dma_start3A_66] : memref<2x1x128xi32, #tpu.memory_space<vmem>> -> memref<1x1x128xi32, #tpu.memory_space<vmem>>
        %dma_start3A_68 = tpu.memref_squeeze %dma_start3A_67 : memref<1x1x128xi32, #tpu.memory_space<vmem>> -> memref<1x128xi32, #tpu.memory_space<vmem>>
        %dma_start3A_69 = arith.constant 0 : i32
        %dma_start3A_70 = tpu.memref_slice %arg3[%dma_start3A_69, %mul3A_57] : memref<1x6400xi32, #tpu.memory_space<hbm>> -> memref<1x128xi32, #tpu.memory_space<hbm>>
        tpu.enqueue_dma source(%dma_start3A_70 : memref<1x128xi32, #tpu.memory_space<hbm>>) target(%dma_start3A_68 : memref<1x128xi32, #tpu.memory_space<vmem>>) target_semaphore(%dma_start3A_64 : memref<!tpu.dma_semaphore, #tpu.memory_space<semaphore_mem>>)
        %add3A_71 = arith.constant 0 : i32
        %add3A_72 = arith.constant 1 : i32
        %add3A_73 = arith.addi %add3A_71, %add3A_72 : i32
        %select_n3A_74 = arith.constant true
        %select_n3A_75 = arith.constant 0 : i32
        %select_n3A_76 = arith.select %select_n3A_74, %add3A_73, %select_n3A_75 : i32
        %while3A = arith.constant 0 : i32
        %while3A_77 = arith.constant 0 : i32
        %while3A_78 = arith.constant 0 : i32
        %while3A_79 = arith.constant 0 : i32
        %while3A_80 = arith.constant 0 : i32
        "tpu.trace_stop"() : () -> ()
        %while3A_81 = arith.subi %mul3A_16, %while3A : i32
        %while3A_82 = arith.addi %while3A, %while3A_81 : i32
        %while3A_83 = arith.constant 1 : i32
        %while3A_84 = arith.divsi %while3A_81, %while3A_83 : i32
        %while3A_85 = arith.muli %while3A_84, %while3A_83 : i32
        %while3A_86 = arith.addi %while3A, %while3A_85 : i32
        %while3A_87 = arith.constant 1 : i32
        %while3A_88:5 = scf.for %while3A_142 = %while3A to %while3A_86 step %while3A_87 iter_args(%while3A_143 = %select_n3A_76, %while3A_144 = %while3A_77, %while3A_145 = %while3A_78, %while3A_146 = %while3A_79, %while3A_147 = %while3A_80) -> (i32, i32, i32, i32, i32)  : i32 {
          %mul3A_148 = arith.constant 1 : i32
          %mul3A_149 = arith.muli %mul3A_148, %select_n3A : i32
          %eq3A_150 = arith.constant 0 : i32
          %eq3A_151 = arith.cmpi eq, %while3A_142, %eq3A_150 : i32
          %sub3A_152 = arith.constant 1 : i32
          %sub3A_153 = arith.subi %mul3A_149, %sub3A_152 : i32
          %eq3A_154 = arith.cmpi eq, %while3A_142, %sub3A_153 : i32
          %add3A_155 = arith.addi %while3A_147, %select_n3A_14 : i32
          %sub3A_156 = arith.constant 1 : i32
          %sub3A_157 = arith.subi %while3A_147, %sub3A_156 : i32
          %select_n3A_158 = arith.constant true
          %select_n3A_159 = arith.select %select_n3A_158, %sub3A_157, %while3A_147 : i32
          %eq3A_160 = arith.constant -1 : i32
          %eq3A_161 = arith.cmpi eq, %select_n3A_159, %eq3A_160 : i32
          %sub3A_162 = arith.constant 1 : i32
          %sub3A_163 = arith.subi %select_n3A, %sub3A_162 : i32
          %select_n3A_164 = arith.select %eq3A_161, %sub3A_163, %select_n3A_159 : i32
          %add3A_165 = arith.addi %select_n3A_164, %select_n3A_14 : i32
          %add3A_166 = arith.constant 1 : i32
          %add3A_167 = arith.addi %while3A_147, %add3A_166 : i32
          %select_n3A_168 = arith.constant true
          %select_n3A_169 = arith.select %select_n3A_168, %add3A_167, %while3A_147 : i32
          %eq3A_170 = arith.cmpi eq, %select_n3A_169, %select_n3A : i32
          %select_n3A_171 = arith.constant 0 : i32
          %select_n3A_172 = arith.select %eq3A_170, %select_n3A_171, %select_n3A_169 : i32
          %add3A_173 = arith.addi %select_n3A_172, %select_n3A_14 : i32
          %add3A_174 = arith.constant 1 : i32
          %add3A_175 = arith.addi %select_n3A_172, %add3A_174 : i32
          %select_n3A_176 = arith.constant true
          %select_n3A_177 = arith.select %select_n3A_176, %add3A_175, %select_n3A_172 : i32
          %eq3A_178 = arith.cmpi eq, %select_n3A_177, %select_n3A : i32
          %select_n3A_179 = arith.constant 0 : i32
          %select_n3A_180 = arith.select %eq3A_178, %select_n3A_179, %select_n3A_177 : i32
          %add3A_181 = arith.addi %select_n3A_180, %select_n3A_14 : i32
          %ne3A = arith.cmpi ne, %add3A_155, %add3A_173 : i32
          %or3A = arith.constant false
          %or3A_182 = arith.ori %or3A, %ne3A : i1
          %sub3A_183 = arith.constant 2 : i32
          %sub3A_184 = arith.subi %mul3A_149, %sub3A_183 : i32
          %add3A_185 = arith.constant 1 : i32
          %add3A_186 = arith.addi %sub3A_184, %add3A_185 : i32
          %ge3A = arith.cmpi sge, %while3A_142, %add3A_186 : i32
          %not3A = arith.constant true
          %not3A_187 = arith.xori %ge3A, %not3A : i1
          %and3A = arith.andi %or3A_182, %not3A_187 : i1
          %convert_element_type3A_188 = arith.extui %and3A : i1 to i32
          %cond3A_189 = arith.constant 0 : i32
          %cond3A_190 = arith.cmpi ne, %convert_element_type3A_188, %cond3A_189 : i32
          scf.if %cond3A_190 {
            "tpu.trace_start"() <{level = 10 : i32, message = "ep_copy_in"}> : () -> ()
            %rem3A_294 = arith.constant 2 : i32
            %rem3A_295 = arith.remui %while3A_143, %rem3A_294 : i32
            %mul3A_296 = arith.constant 128 : i32
            %mul3A_297 = arith.muli %mul3A_296, %add3A_173 : i32
            %dma_start3A_298 = arith.constant 0 : i32
            %dma_start3A_299 = arith.constant 0 : i32
            %dma_start3A_300 = tpu.memref_slice %run_scoped3A[%rem3A_295, %dma_start3A_298, %dma_start3A_299] : memref<2x1x128xi32, #tpu.memory_space<vmem>> -> memref<1x1x128xi32, #tpu.memory_space<vmem>>
            %dma_start3A_301 = tpu.memref_squeeze %dma_start3A_300 : memref<1x1x128xi32, #tpu.memory_space<vmem>> -> memref<1x128xi32, #tpu.memory_space<vmem>>
            %dma_start3A_302 = arith.constant 0 : i32
            %dma_start3A_303 = tpu.memref_slice %arg3[%dma_start3A_302, %mul3A_297] : memref<1x6400xi32, #tpu.memory_space<hbm>> -> memref<1x128xi32, #tpu.memory_space<hbm>>
            %dma_start3A_304 = tpu.memref_slice %run_scoped3A_17[%rem3A_295] : memref<2x!tpu.dma_semaphore, #tpu.memory_space<semaphore_mem>> -> memref<1x!tpu.dma_semaphore, #tpu.memory_space<semaphore_mem>>
            %dma_start3A_305 = tpu.memref_squeeze %dma_start3A_304 : memref<1x!tpu.dma_semaphore, #tpu.memory_space<semaphore_mem>> -> memref<!tpu.dma_semaphore, #tpu.memory_space<semaphore_mem>>
            %dma_start3A_306 = arith.constant 0 : i32
            %dma_start3A_307 = arith.constant 0 : i32
            %dma_start3A_308 = tpu.memref_slice %run_scoped3A[%rem3A_295, %dma_start3A_306, %dma_start3A_307] : memref<2x1x128xi32, #tpu.memory_space<vmem>> -> memref<1x1x128xi32, #tpu.memory_space<vmem>>
            %dma_start3A_309 = tpu.memref_squeeze %dma_start3A_308 : memref<1x1x128xi32, #tpu.memory_space<vmem>> -> memref<1x128xi32, #tpu.memory_space<vmem>>
            %dma_start3A_310 = arith.constant 0 : i32
            %dma_start3A_311 = tpu.memref_slice %arg3[%dma_start3A_310, %mul3A_297] : memref<1x6400xi32, #tpu.memory_space<hbm>> -> memref<1x128xi32, #tpu.memory_space<hbm>>
            tpu.enqueue_dma source(%dma_start3A_311 : memref<1x128xi32, #tpu.memory_space<hbm>>) target(%dma_start3A_309 : memref<1x128xi32, #tpu.memory_space<vmem>>) target_semaphore(%dma_start3A_305 : memref<!tpu.dma_semaphore, #tpu.memory_space<semaphore_mem>>)
            "tpu.trace_stop"() : () -> ()
          } else {
          }
          %and3A_191 = arith.constant true
          %and3A_192 = arith.andi %and3A, %and3A_191 : i1
          %add3A_193 = arith.constant 1 : i32
          %add3A_194 = arith.addi %while3A_143, %add3A_193 : i32
          %select_n3A_195 = arith.select %and3A_192, %add3A_194, %while3A_143 : i32
          %ne3A_196 = arith.cmpi ne, %add3A_155, %add3A_173 : i32
          %or3A_197 = arith.constant false
          %or3A_198 = arith.ori %or3A_197, %ne3A_196 : i1
          %or3A_199 = arith.constant false
          %or3A_200 = arith.ori %or3A_198, %or3A_199 : i1
          %sub3A_201 = arith.constant 2 : i32
          %sub3A_202 = arith.subi %mul3A_149, %sub3A_201 : i32
          %add3A_203 = arith.constant 1 : i32
          %add3A_204 = arith.addi %sub3A_202, %add3A_203 : i32
          %ge3A_205 = arith.cmpi sge, %while3A_142, %add3A_204 : i32
          %not3A_206 = arith.constant true
          %not3A_207 = arith.xori %ge3A_205, %not3A_206 : i1
          %and3A_208 = arith.andi %or3A_200, %not3A_207 : i1
          %ne3A_209 = arith.cmpi ne, %add3A_155, %add3A_165 : i32
          %or3A_210 = arith.constant false
          %or3A_211 = arith.ori %or3A_210, %ne3A_209 : i1
          %or3A_212 = arith.ori %or3A_211, %eq3A_151 : i1
          %convert_element_type3A_213 = arith.extui %or3A_212 : i1 to i32
          %cond3A_214 = arith.constant 0 : i32
          %cond3A_215 = arith.cmpi ne, %convert_element_type3A_213, %cond3A_214 : i32
          scf.if %cond3A_215 {
            "tpu.trace_start"() <{level = 10 : i32, message = "ep_wait_in"}> : () -> ()
            %mul3A_294 = arith.constant 128 : i32
            %mul3A_295 = arith.muli %mul3A_294, %add3A_155 : i32
            %rem3A_296 = arith.constant 2 : i32
            %rem3A_297 = arith.remui %while3A_144, %rem3A_296 : i32
            %dma_wait3A = arith.constant 0 : i32
            %dma_wait3A_298 = arith.constant 0 : i32
            %dma_wait3A_299 = tpu.memref_slice %run_scoped3A[%rem3A_297, %dma_wait3A, %dma_wait3A_298] : memref<2x1x128xi32, #tpu.memory_space<vmem>> -> memref<1x1x128xi32, #tpu.memory_space<vmem>>
            %dma_wait3A_300 = tpu.memref_squeeze %dma_wait3A_299 : memref<1x1x128xi32, #tpu.memory_space<vmem>> -> memref<1x128xi32, #tpu.memory_space<vmem>>
            %dma_wait3A_301 = arith.constant 0 : i32
            %dma_wait3A_302 = tpu.memref_slice %arg3[%dma_wait3A_301, %mul3A_295] : memref<1x6400xi32, #tpu.memory_space<hbm>> -> memref<1x128xi32, #tpu.memory_space<hbm>>
            %dma_wait3A_303 = tpu.memref_slice %run_scoped3A_17[%rem3A_297] : memref<2x!tpu.dma_semaphore, #tpu.memory_space<semaphore_mem>> -> memref<1x!tpu.dma_semaphore, #tpu.memory_space<semaphore_mem>>
            %dma_wait3A_304 = tpu.memref_squeeze %dma_wait3A_303 : memref<1x!tpu.dma_semaphore, #tpu.memory_space<semaphore_mem>> -> memref<!tpu.dma_semaphore, #tpu.memory_space<semaphore_mem>>
            %dma_wait3A_305 = arith.constant 0 : i32
            %dma_wait3A_306 = arith.constant 0 : i32
            %dma_wait3A_307 = tpu.memref_slice %run_scoped3A[%rem3A_297, %dma_wait3A_305, %dma_wait3A_306] : memref<2x1x128xi32, #tpu.memory_space<vmem>> -> memref<1x1x128xi32, #tpu.memory_space<vmem>>
            %dma_wait3A_308 = tpu.memref_squeeze %dma_wait3A_307 : memref<1x1x128xi32, #tpu.memory_space<vmem>> -> memref<1x128xi32, #tpu.memory_space<vmem>>
            %dma_wait3A_309 = arith.constant 0 : i32
            %dma_wait3A_310 = tpu.memref_slice %arg3[%dma_wait3A_309, %mul3A_295] : memref<1x6400xi32, #tpu.memory_space<hbm>> -> memref<1x128xi32, #tpu.memory_space<hbm>>
            tpu.wait_dma2 semaphore(%dma_wait3A_304 : memref<!tpu.dma_semaphore, #tpu.memory_space<semaphore_mem>>) src(%dma_wait3A_310 : memref<1x128xi32, #tpu.memory_space<hbm>>) dst(%dma_wait3A_308 : memref<1x128xi32, #tpu.memory_space<vmem>>)
            "tpu.trace_stop"() : () -> ()
          } else {
          }
          %ne3A_216 = arith.cmpi ne, %add3A_155, %add3A_165 : i32
          %or3A_217 = arith.constant false
          %or3A_218 = arith.ori %or3A_217, %ne3A_216 : i1
          %or3A_219 = arith.constant false
          %or3A_220 = arith.ori %or3A_218, %or3A_219 : i1
          %or3A_221 = arith.ori %or3A_220, %eq3A_151 : i1
          %convert_element_type3A_222 = arith.extui %or3A_221 : i1 to i32
          %cond3A_223 = arith.constant 0 : i32
          %cond3A_224 = arith.cmpi ne, %convert_element_type3A_222, %cond3A_223 : i32
          scf.if %cond3A_224 {
          } else {
          }
          %rem3A_225 = arith.constant 2 : i32
          %rem3A_226 = arith.remui %while3A_144, %rem3A_225 : i32
          %rem3A_227 = arith.constant 2 : i32
          %rem3A_228 = arith.remui %while3A_145, %rem3A_227 : i32
          %run_scoped3A_229 = arith.constant 0 : i32
          "tpu.trace_start"() <{level = 10 : i32, message = "ep_run_kernel"}> : () -> ()
          "tpu.region"() ({
            %run_scoped3A_294 = tpu.sem_alloc : memref<!tpu.dma_semaphore, #tpu.memory_space<semaphore_mem>>
            %dma_start3A_295 = arith.constant 0 : i32
            %dma_start3A_296 = arith.constant 0 : i32
            %dma_start3A_297 = tpu.memref_slice %run_scoped3A_18[%rem3A_228, %dma_start3A_295, %dma_start3A_296] : memref<2x128x128xf32, #tpu.memory_space<vmem>> -> memref<1x128x128xf32, #tpu.memory_space<vmem>>
            %dma_start3A_298 = tpu.memref_squeeze %dma_start3A_297 : memref<1x128x128xf32, #tpu.memory_space<vmem>> -> memref<128x128xf32, #tpu.memory_space<vmem>>
            %dma_start3A_299 = arith.constant 0 : i32
            %dma_start3A_300 = arith.constant 0 : i32
            %dma_start3A_301 = tpu.memref_slice %run_scoped3A[%rem3A_226, %dma_start3A_299, %dma_start3A_300] : memref<2x1x128xi32, #tpu.memory_space<vmem>> -> memref<1x1x128xi32, #tpu.memory_space<vmem>>
            %dma_start3A_302 = tpu.memref_squeeze %dma_start3A_301 : memref<1x1x128xi32, #tpu.memory_space<vmem>> -> memref<1x128xi32, #tpu.memory_space<vmem>>
            %dma_start3A_303 = arith.constant 0 : i32
            %dma_start3A_304 = tpu.memref_slice %dma_start3A_302[%run_scoped3A_229, %dma_start3A_303] : memref<1x128xi32, #tpu.memory_space<vmem>> -> memref<1x128xi32, #tpu.memory_space<vmem>>
            %dma_start3A_305 = tpu.memref_squeeze %dma_start3A_304 : memref<1x128xi32, #tpu.memory_space<vmem>> -> memref<128xi32, #tpu.memory_space<vmem>>
            %dma_start3A_306 = arith.constant 0 : i32
            %dma_start3A_307 = arith.constant 0 : i32
            %dma_start3A_308 = tpu.memref_slice %arg2[%dma_start3A_306, %dma_start3A_307] : memref<1000x128xf32, #tpu.memory_space<hbm>> -> memref<1000x128xf32, #tpu.memory_space<hbm>>
            tpu.enqueue_indirect_dma source(%dma_start3A_308 : memref<1000x128xf32, #tpu.memory_space<hbm>>) target(%dma_start3A_298 : memref<128x128xf32, #tpu.memory_space<vmem>>) offsets(%dma_start3A_305 : memref<128xi32, #tpu.memory_space<vmem>>) semaphore(%run_scoped3A_294 : memref<!tpu.dma_semaphore, #tpu.memory_space<semaphore_mem>>)
            %dma_wait3A = arith.constant 0 : i32
            %dma_wait3A_309 = arith.constant 0 : i32
            %dma_wait3A_310 = tpu.memref_slice %run_scoped3A_18[%rem3A_228, %dma_wait3A, %dma_wait3A_309] : memref<2x128x128xf32, #tpu.memory_space<vmem>> -> memref<1x128x128xf32, #tpu.memory_space<vmem>>
            %dma_wait3A_311 = tpu.memref_squeeze %dma_wait3A_310 : memref<1x128x128xf32, #tpu.memory_space<vmem>> -> memref<128x128xf32, #tpu.memory_space<vmem>>
            %dma_wait3A_312 = arith.constant 0 : i32
            %dma_wait3A_313 = arith.constant 0 : i32
            %dma_wait3A_314 = tpu.memref_slice %run_scoped3A[%rem3A_226, %dma_wait3A_312, %dma_wait3A_313] : memref<2x1x128xi32, #tpu.memory_space<vmem>> -> memref<1x1x128xi32, #tpu.memory_space<vmem>>
            %dma_wait3A_315 = tpu.memref_squeeze %dma_wait3A_314 : memref<1x1x128xi32, #tpu.memory_space<vmem>> -> memref<1x128xi32, #tpu.memory_space<vmem>>
            %dma_wait3A_316 = arith.constant 0 : i32
            %dma_wait3A_317 = tpu.memref_slice %dma_wait3A_315[%run_scoped3A_229, %dma_wait3A_316] : memref<1x128xi32, #tpu.memory_space<vmem>> -> memref<1x128xi32, #tpu.memory_space<vmem>>
            %dma_wait3A_318 = tpu.memref_squeeze %dma_wait3A_317 : memref<1x128xi32, #tpu.memory_space<vmem>> -> memref<128xi32, #tpu.memory_space<vmem>>
            %dma_wait3A_319 = arith.constant 0 : i32
            %dma_wait3A_320 = arith.constant 0 : i32
            %dma_wait3A_321 = tpu.memref_slice %arg2[%dma_wait3A_319, %dma_wait3A_320] : memref<1000x128xf32, #tpu.memory_space<hbm>> -> memref<1000x128xf32, #tpu.memory_space<hbm>>
            tpu.wait_indirect_dma semaphore(%run_scoped3A_294 : memref<!tpu.dma_semaphore, #tpu.memory_space<semaphore_mem>>) src(%dma_wait3A_321 : memref<1000x128xf32, #tpu.memory_space<hbm>>) dst(%dma_wait3A_311 : memref<128x128xf32, #tpu.memory_space<vmem>>)
            tpu.yield
          }) : () -> ()
          "tpu.trace_stop"() : () -> ()
          %ne3A_230 = arith.cmpi ne, %add3A_155, %add3A_173 : i32
          %or3A_231 = arith.constant false
          %or3A_232 = arith.ori %or3A_231, %ne3A_230 : i1
          %or3A_233 = arith.ori %or3A_232, %eq3A_154 : i1
          %convert_element_type3A_234 = arith.extui %or3A_233 : i1 to i32
          %cond3A_235 = arith.constant 0 : i32
          %cond3A_236 = arith.cmpi ne, %convert_element_type3A_234, %cond3A_235 : i32
          scf.if %cond3A_236 {
          } else {
          }
          %and3A_237 = arith.constant false
          %and3A_238 = arith.andi %or3A_233, %and3A_237 : i1
          %ne3A_239 = arith.cmpi ne, %add3A_155, %add3A_173 : i32
          %or3A_240 = arith.constant false
          %or3A_241 = arith.ori %or3A_240, %ne3A_239 : i1
          %or3A_242 = arith.constant false
          %or3A_243 = arith.ori %or3A_241, %or3A_242 : i1
          %or3A_244 = arith.ori %or3A_243, %eq3A_154 : i1
          %convert_element_type3A_245 = arith.extui %or3A_244 : i1 to i32
          %cond3A_246 = arith.constant 0 : i32
          %cond3A_247 = arith.cmpi ne, %convert_element_type3A_245, %cond3A_246 : i32
          scf.if %cond3A_247 {
            "tpu.trace_start"() <{level = 10 : i32, message = "ep_copy_out"}> : () -> ()
            %rem3A_294 = arith.constant 2 : i32
            %rem3A_295 = arith.remui %while3A_145, %rem3A_294 : i32
            %mul3A_296 = arith.constant 128 : i32
            %mul3A_297 = arith.muli %mul3A_296, %add3A_155 : i32
            %dma_start3A_298 = arith.constant 0 : i32
            %dma_start3A_299 = arith.constant 0 : i32
            %dma_start3A_300 = tpu.memref_slice %run_scoped3A_18[%rem3A_295, %dma_start3A_298, %dma_start3A_299] : memref<2x128x128xf32, #tpu.memory_space<vmem>> -> memref<1x128x128xf32, #tpu.memory_space<vmem>>
            %dma_start3A_301 = tpu.memref_squeeze %dma_start3A_300 : memref<1x128x128xf32, #tpu.memory_space<vmem>> -> memref<128x128xf32, #tpu.memory_space<vmem>>
            %dma_start3A_302 = arith.constant 0 : i32
            %dma_start3A_303 = tpu.memref_slice %arg4[%mul3A_297, %dma_start3A_302] : memref<6400x128xf32, #tpu.memory_space<hbm>> -> memref<128x128xf32, #tpu.memory_space<hbm>>
            %dma_start3A_304 = tpu.memref_slice %run_scoped3A_19[%rem3A_295] : memref<2x!tpu.dma_semaphore, #tpu.memory_space<semaphore_mem>> -> memref<1x!tpu.dma_semaphore, #tpu.memory_space<semaphore_mem>>
            %dma_start3A_305 = tpu.memref_squeeze %dma_start3A_304 : memref<1x!tpu.dma_semaphore, #tpu.memory_space<semaphore_mem>> -> memref<!tpu.dma_semaphore, #tpu.memory_space<semaphore_mem>>
            %dma_start3A_306 = arith.constant 0 : i32
            %dma_start3A_307 = tpu.memref_slice %arg4[%mul3A_297, %dma_start3A_306] : memref<6400x128xf32, #tpu.memory_space<hbm>> -> memref<128x128xf32, #tpu.memory_space<hbm>>
            %dma_start3A_308 = arith.constant 0 : i32
            %dma_start3A_309 = arith.constant 0 : i32
            %dma_start3A_310 = tpu.memref_slice %run_scoped3A_18[%rem3A_295, %dma_start3A_308, %dma_start3A_309] : memref<2x128x128xf32, #tpu.memory_space<vmem>> -> memref<1x128x128xf32, #tpu.memory_space<vmem>>
            %dma_start3A_311 = tpu.memref_squeeze %dma_start3A_310 : memref<1x128x128xf32, #tpu.memory_space<vmem>> -> memref<128x128xf32, #tpu.memory_space<vmem>>
            tpu.enqueue_dma source(%dma_start3A_311 : memref<128x128xf32, #tpu.memory_space<vmem>>) target(%dma_start3A_307 : memref<128x128xf32, #tpu.memory_space<hbm>>) target_semaphore(%dma_start3A_305 : memref<!tpu.dma_semaphore, #tpu.memory_space<semaphore_mem>>)
            "tpu.trace_stop"() : () -> ()
          } else {
          }
          %and3A_248 = arith.constant true
          %and3A_249 = arith.andi %or3A_244, %and3A_248 : i1
          %add3A_250 = arith.constant 1 : i32
          %add3A_251 = arith.addi %while3A_145, %add3A_250 : i32
          %select_n3A_252 = arith.select %and3A_249, %add3A_251, %while3A_145 : i32
          %ne3A_253 = arith.cmpi ne, %add3A_155, %add3A_165 : i32
          %or3A_254 = arith.constant false
          %or3A_255 = arith.ori %or3A_254, %ne3A_253 : i1
          %not3A_256 = arith.constant true
          %not3A_257 = arith.xori %eq3A_151, %not3A_256 : i1
          %and3A_258 = arith.andi %or3A_255, %not3A_257 : i1
          %convert_element_type3A_259 = arith.extui %and3A_258 : i1 to i32
          %cond3A_260 = arith.constant 0 : i32
          %cond3A_261 = arith.cmpi ne, %convert_element_type3A_259, %cond3A_260 : i32
          scf.if %cond3A_261 {
          } else {
          }
          %and3A_262 = arith.constant false
          %and3A_263 = arith.andi %and3A_258, %and3A_262 : i1
          %ne3A_264 = arith.cmpi ne, %add3A_155, %add3A_165 : i32
          %or3A_265 = arith.constant false
          %or3A_266 = arith.ori %or3A_265, %ne3A_264 : i1
          %or3A_267 = arith.constant false
          %or3A_268 = arith.ori %or3A_266, %or3A_267 : i1
          %not3A_269 = arith.constant true
          %not3A_270 = arith.xori %eq3A_151, %not3A_269 : i1
          %and3A_271 = arith.andi %or3A_268, %not3A_270 : i1
          %convert_element_type3A_272 = arith.extui %and3A_271 : i1 to i32
          %cond3A_273 = arith.constant 0 : i32
          %cond3A_274 = arith.cmpi ne, %convert_element_type3A_272, %cond3A_273 : i32
          scf.if %cond3A_274 {
            "tpu.trace_start"() <{level = 10 : i32, message = "ep_wait_out"}> : () -> ()
            %rem3A_294 = arith.constant 2 : i32
            %rem3A_295 = arith.remui %while3A_146, %rem3A_294 : i32
            %mul3A_296 = arith.constant 128 : i32
            %mul3A_297 = arith.muli %mul3A_296, %add3A_165 : i32
            %dma_wait3A = arith.constant 0 : i32
            %dma_wait3A_298 = arith.constant 0 : i32
            %dma_wait3A_299 = tpu.memref_slice %run_scoped3A_18[%rem3A_295, %dma_wait3A, %dma_wait3A_298] : memref<2x128x128xf32, #tpu.memory_space<vmem>> -> memref<1x128x128xf32, #tpu.memory_space<vmem>>
            %dma_wait3A_300 = tpu.memref_squeeze %dma_wait3A_299 : memref<1x128x128xf32, #tpu.memory_space<vmem>> -> memref<128x128xf32, #tpu.memory_space<vmem>>
            %dma_wait3A_301 = arith.constant 0 : i32
            %dma_wait3A_302 = tpu.memref_slice %arg4[%mul3A_297, %dma_wait3A_301] : memref<6400x128xf32, #tpu.memory_space<hbm>> -> memref<128x128xf32, #tpu.memory_space<hbm>>
            %dma_wait3A_303 = tpu.memref_slice %run_scoped3A_19[%rem3A_295] : memref<2x!tpu.dma_semaphore, #tpu.memory_space<semaphore_mem>> -> memref<1x!tpu.dma_semaphore, #tpu.memory_space<semaphore_mem>>
            %dma_wait3A_304 = tpu.memref_squeeze %dma_wait3A_303 : memref<1x!tpu.dma_semaphore, #tpu.memory_space<semaphore_mem>> -> memref<!tpu.dma_semaphore, #tpu.memory_space<semaphore_mem>>
            %dma_wait3A_305 = arith.constant 0 : i32
            %dma_wait3A_306 = tpu.memref_slice %arg4[%mul3A_297, %dma_wait3A_305] : memref<6400x128xf32, #tpu.memory_space<hbm>> -> memref<128x128xf32, #tpu.memory_space<hbm>>
            %dma_wait3A_307 = arith.constant 0 : i32
            %dma_wait3A_308 = arith.constant 0 : i32
            %dma_wait3A_309 = tpu.memref_slice %run_scoped3A_18[%rem3A_295, %dma_wait3A_307, %dma_wait3A_308] : memref<2x128x128xf32, #tpu.memory_space<vmem>> -> memref<1x128x128xf32, #tpu.memory_space<vmem>>
            %dma_wait3A_310 = tpu.memref_squeeze %dma_wait3A_309 : memref<1x128x128xf32, #tpu.memory_space<vmem>> -> memref<128x128xf32, #tpu.memory_space<vmem>>
            tpu.wait_dma2 semaphore(%dma_wait3A_304 : memref<!tpu.dma_semaphore, #tpu.memory_space<semaphore_mem>>) src(%dma_wait3A_310 : memref<128x128xf32, #tpu.memory_space<vmem>>) dst(%dma_wait3A_306 : memref<128x128xf32, #tpu.memory_space<hbm>>)
            "tpu.trace_stop"() : () -> ()
          } else {
          }
          %and3A_275 = arith.constant true
          %and3A_276 = arith.andi %and3A_271, %and3A_275 : i1
          %add3A_277 = arith.constant 1 : i32
          %add3A_278 = arith.addi %while3A_146, %add3A_277 : i32
          %select_n3A_279 = arith.select %and3A_276, %add3A_278, %while3A_146 : i32
          %ne3A_280 = arith.cmpi ne, %add3A_155, %add3A_173 : i32
          %or3A_281 = arith.constant false
          %or3A_282 = arith.ori %or3A_281, %ne3A_280 : i1
          %or3A_283 = arith.ori %or3A_282, %eq3A_154 : i1
          %add3A_284 = arith.constant 1 : i32
          %add3A_285 = arith.addi %while3A_144, %add3A_284 : i32
          %select_n3A_286 = arith.select %or3A_283, %add3A_285, %while3A_144 : i32
          %add3A_287 = arith.constant 1 : i32
          %add3A_288 = arith.addi %while3A_147, %add3A_287 : i32
          %select_n3A_289 = arith.constant true
          %select_n3A_290 = arith.select %select_n3A_289, %add3A_288, %while3A_147 : i32
          %eq3A_291 = arith.cmpi eq, %select_n3A_290, %select_n3A : i32
          %select_n3A_292 = arith.constant 0 : i32
          %select_n3A_293 = arith.select %eq3A_291, %select_n3A_292, %select_n3A_290 : i32
          scf.yield %select_n3A_195, %select_n3A_286, %select_n3A_252, %select_n3A_279, %select_n3A_293 : i32, i32, i32, i32, i32
        }
        %while3A_89 = arith.constant 1 : i32
        %while3A_90:5 = scf.for %while3A_142 = %while3A_86 to %while3A_82 step %while3A_89 iter_args(%while3A_143 = %while3A_88#0, %while3A_144 = %while3A_88#1, %while3A_145 = %while3A_88#2, %while3A_146 = %while3A_88#3, %while3A_147 = %while3A_88#4) -> (i32, i32, i32, i32, i32)  : i32 {
          %mul3A_148 = arith.constant 1 : i32
          %mul3A_149 = arith.muli %mul3A_148, %select_n3A : i32
          %eq3A_150 = arith.constant 0 : i32
          %eq3A_151 = arith.cmpi eq, %while3A_142, %eq3A_150 : i32
          %sub3A_152 = arith.constant 1 : i32
          %sub3A_153 = arith.subi %mul3A_149, %sub3A_152 : i32
          %eq3A_154 = arith.cmpi eq, %while3A_142, %sub3A_153 : i32
          %add3A_155 = arith.addi %while3A_147, %select_n3A_14 : i32
          %sub3A_156 = arith.constant 1 : i32
          %sub3A_157 = arith.subi %while3A_147, %sub3A_156 : i32
          %select_n3A_158 = arith.constant true
          %select_n3A_159 = arith.select %select_n3A_158, %sub3A_157, %while3A_147 : i32
          %eq3A_160 = arith.constant -1 : i32
          %eq3A_161 = arith.cmpi eq, %select_n3A_159, %eq3A_160 : i32
          %sub3A_162 = arith.constant 1 : i32
          %sub3A_163 = arith.subi %select_n3A, %sub3A_162 : i32
          %select_n3A_164 = arith.select %eq3A_161, %sub3A_163, %select_n3A_159 : i32
          %add3A_165 = arith.addi %select_n3A_164, %select_n3A_14 : i32
          %add3A_166 = arith.constant 1 : i32
          %add3A_167 = arith.addi %while3A_147, %add3A_166 : i32
          %select_n3A_168 = arith.constant true
          %select_n3A_169 = arith.select %select_n3A_168, %add3A_167, %while3A_147 : i32
          %eq3A_170 = arith.cmpi eq, %select_n3A_169, %select_n3A : i32
          %select_n3A_171 = arith.constant 0 : i32
          %select_n3A_172 = arith.select %eq3A_170, %select_n3A_171, %select_n3A_169 : i32
          %add3A_173 = arith.addi %select_n3A_172, %select_n3A_14 : i32
          %add3A_174 = arith.constant 1 : i32
          %add3A_175 = arith.addi %select_n3A_172, %add3A_174 : i32
          %select_n3A_176 = arith.constant true
          %select_n3A_177 = arith.select %select_n3A_176, %add3A_175, %select_n3A_172 : i32
          %eq3A_178 = arith.cmpi eq, %select_n3A_177, %select_n3A : i32
          %select_n3A_179 = arith.constant 0 : i32
          %select_n3A_180 = arith.select %eq3A_178, %select_n3A_179, %select_n3A_177 : i32
          %add3A_181 = arith.addi %select_n3A_180, %select_n3A_14 : i32
          %ne3A = arith.cmpi ne, %add3A_155, %add3A_173 : i32
          %or3A = arith.constant false
          %or3A_182 = arith.ori %or3A, %ne3A : i1
          %sub3A_183 = arith.constant 2 : i32
          %sub3A_184 = arith.subi %mul3A_149, %sub3A_183 : i32
          %add3A_185 = arith.constant 1 : i32
          %add3A_186 = arith.addi %sub3A_184, %add3A_185 : i32
          %ge3A = arith.cmpi sge, %while3A_142, %add3A_186 : i32
          %not3A = arith.constant true
          %not3A_187 = arith.xori %ge3A, %not3A : i1
          %and3A = arith.andi %or3A_182, %not3A_187 : i1
          %convert_element_type3A_188 = arith.extui %and3A : i1 to i32
          %cond3A_189 = arith.constant 0 : i32
          %cond3A_190 = arith.cmpi ne, %convert_element_type3A_188, %cond3A_189 : i32
          scf.if %cond3A_190 {
            "tpu.trace_start"() <{level = 10 : i32, message = "ep_copy_in"}> : () -> ()
            %rem3A_294 = arith.constant 2 : i32
            %rem3A_295 = arith.remui %while3A_143, %rem3A_294 : i32
            %mul3A_296 = arith.constant 128 : i32
            %mul3A_297 = arith.muli %mul3A_296, %add3A_173 : i32
            %dma_start3A_298 = arith.constant 0 : i32
            %dma_start3A_299 = arith.constant 0 : i32
            %dma_start3A_300 = tpu.memref_slice %run_scoped3A[%rem3A_295, %dma_start3A_298, %dma_start3A_299] : memref<2x1x128xi32, #tpu.memory_space<vmem>> -> memref<1x1x128xi32, #tpu.memory_space<vmem>>
            %dma_start3A_301 = tpu.memref_squeeze %dma_start3A_300 : memref<1x1x128xi32, #tpu.memory_space<vmem>> -> memref<1x128xi32, #tpu.memory_space<vmem>>
            %dma_start3A_302 = arith.constant 0 : i32
            %dma_start3A_303 = tpu.memref_slice %arg3[%dma_start3A_302, %mul3A_297] : memref<1x6400xi32, #tpu.memory_space<hbm>> -> memref<1x128xi32, #tpu.memory_space<hbm>>
            %dma_start3A_304 = tpu.memref_slice %run_scoped3A_17[%rem3A_295] : memref<2x!tpu.dma_semaphore, #tpu.memory_space<semaphore_mem>> -> memref<1x!tpu.dma_semaphore, #tpu.memory_space<semaphore_mem>>
            %dma_start3A_305 = tpu.memref_squeeze %dma_start3A_304 : memref<1x!tpu.dma_semaphore, #tpu.memory_space<semaphore_mem>> -> memref<!tpu.dma_semaphore, #tpu.memory_space<semaphore_mem>>
            %dma_start3A_306 = arith.constant 0 : i32
            %dma_start3A_307 = arith.constant 0 : i32
            %dma_start3A_308 = tpu.memref_slice %run_scoped3A[%rem3A_295, %dma_start3A_306, %dma_start3A_307] : memref<2x1x128xi32, #tpu.memory_space<vmem>> -> memref<1x1x128xi32, #tpu.memory_space<vmem>>
            %dma_start3A_309 = tpu.memref_squeeze %dma_start3A_308 : memref<1x1x128xi32, #tpu.memory_space<vmem>> -> memref<1x128xi32, #tpu.memory_space<vmem>>
            %dma_start3A_310 = arith.constant 0 : i32
            %dma_start3A_311 = tpu.memref_slice %arg3[%dma_start3A_310, %mul3A_297] : memref<1x6400xi32, #tpu.memory_space<hbm>> -> memref<1x128xi32, #tpu.memory_space<hbm>>
            tpu.enqueue_dma source(%dma_start3A_311 : memref<1x128xi32, #tpu.memory_space<hbm>>) target(%dma_start3A_309 : memref<1x128xi32, #tpu.memory_space<vmem>>) target_semaphore(%dma_start3A_305 : memref<!tpu.dma_semaphore, #tpu.memory_space<semaphore_mem>>)
            "tpu.trace_stop"() : () -> ()
          } else {
          }
          %and3A_191 = arith.constant true
          %and3A_192 = arith.andi %and3A, %and3A_191 : i1
          %add3A_193 = arith.constant 1 : i32
          %add3A_194 = arith.addi %while3A_143, %add3A_193 : i32
          %select_n3A_195 = arith.select %and3A_192, %add3A_194, %while3A_143 : i32
          %ne3A_196 = arith.cmpi ne, %add3A_155, %add3A_173 : i32
          %or3A_197 = arith.constant false
          %or3A_198 = arith.ori %or3A_197, %ne3A_196 : i1
          %or3A_199 = arith.constant false
          %or3A_200 = arith.ori %or3A_198, %or3A_199 : i1
          %sub3A_201 = arith.constant 2 : i32
          %sub3A_202 = arith.subi %mul3A_149, %sub3A_201 : i32
          %add3A_203 = arith.constant 1 : i32
          %add3A_204 = arith.addi %sub3A_202, %add3A_203 : i32
          %ge3A_205 = arith.cmpi sge, %while3A_142, %add3A_204 : i32
          %not3A_206 = arith.constant true
          %not3A_207 = arith.xori %ge3A_205, %not3A_206 : i1
          %and3A_208 = arith.andi %or3A_200, %not3A_207 : i1
          %ne3A_209 = arith.cmpi ne, %add3A_155, %add3A_165 : i32
          %or3A_210 = arith.constant false
          %or3A_211 = arith.ori %or3A_210, %ne3A_209 : i1
          %or3A_212 = arith.ori %or3A_211, %eq3A_151 : i1
          %convert_element_type3A_213 = arith.extui %or3A_212 : i1 to i32
          %cond3A_214 = arith.constant 0 : i32
          %cond3A_215 = arith.cmpi ne, %convert_element_type3A_213, %cond3A_214 : i32
          scf.if %cond3A_215 {
            "tpu.trace_start"() <{level = 10 : i32, message = "ep_wait_in"}> : () -> ()
            %mul3A_294 = arith.constant 128 : i32
            %mul3A_295 = arith.muli %mul3A_294, %add3A_155 : i32
            %rem3A_296 = arith.constant 2 : i32
            %rem3A_297 = arith.remui %while3A_144, %rem3A_296 : i32
            %dma_wait3A = arith.constant 0 : i32
            %dma_wait3A_298 = arith.constant 0 : i32
            %dma_wait3A_299 = tpu.memref_slice %run_scoped3A[%rem3A_297, %dma_wait3A, %dma_wait3A_298] : memref<2x1x128xi32, #tpu.memory_space<vmem>> -> memref<1x1x128xi32, #tpu.memory_space<vmem>>
            %dma_wait3A_300 = tpu.memref_squeeze %dma_wait3A_299 : memref<1x1x128xi32, #tpu.memory_space<vmem>> -> memref<1x128xi32, #tpu.memory_space<vmem>>
            %dma_wait3A_301 = arith.constant 0 : i32
            %dma_wait3A_302 = tpu.memref_slice %arg3[%dma_wait3A_301, %mul3A_295] : memref<1x6400xi32, #tpu.memory_space<hbm>> -> memref<1x128xi32, #tpu.memory_space<hbm>>
            %dma_wait3A_303 = tpu.memref_slice %run_scoped3A_17[%rem3A_297] : memref<2x!tpu.dma_semaphore, #tpu.memory_space<semaphore_mem>> -> memref<1x!tpu.dma_semaphore, #tpu.memory_space<semaphore_mem>>
            %dma_wait3A_304 = tpu.memref_squeeze %dma_wait3A_303 : memref<1x!tpu.dma_semaphore, #tpu.memory_space<semaphore_mem>> -> memref<!tpu.dma_semaphore, #tpu.memory_space<semaphore_mem>>
            %dma_wait3A_305 = arith.constant 0 : i32
            %dma_wait3A_306 = arith.constant 0 : i32
            %dma_wait3A_307 = tpu.memref_slice %run_scoped3A[%rem3A_297, %dma_wait3A_305, %dma_wait3A_306] : memref<2x1x128xi32, #tpu.memory_space<vmem>> -> memref<1x1x128xi32, #tpu.memory_space<vmem>>
            %dma_wait3A_308 = tpu.memref_squeeze %dma_wait3A_307 : memref<1x1x128xi32, #tpu.memory_space<vmem>> -> memref<1x128xi32, #tpu.memory_space<vmem>>
            %dma_wait3A_309 = arith.constant 0 : i32
            %dma_wait3A_310 = tpu.memref_slice %arg3[%dma_wait3A_309, %mul3A_295] : memref<1x6400xi32, #tpu.memory_space<hbm>> -> memref<1x128xi32, #tpu.memory_space<hbm>>
            tpu.wait_dma2 semaphore(%dma_wait3A_304 : memref<!tpu.dma_semaphore, #tpu.memory_space<semaphore_mem>>) src(%dma_wait3A_310 : memref<1x128xi32, #tpu.memory_space<hbm>>) dst(%dma_wait3A_308 : memref<1x128xi32, #tpu.memory_space<vmem>>)
            "tpu.trace_stop"() : () -> ()
          } else {
          }
          %ne3A_216 = arith.cmpi ne, %add3A_155, %add3A_165 : i32
          %or3A_217 = arith.constant false
          %or3A_218 = arith.ori %or3A_217, %ne3A_216 : i1
          %or3A_219 = arith.constant false
          %or3A_220 = arith.ori %or3A_218, %or3A_219 : i1
          %or3A_221 = arith.ori %or3A_220, %eq3A_151 : i1
          %convert_element_type3A_222 = arith.extui %or3A_221 : i1 to i32
          %cond3A_223 = arith.constant 0 : i32
          %cond3A_224 = arith.cmpi ne, %convert_element_type3A_222, %cond3A_223 : i32
          scf.if %cond3A_224 {
          } else {
          }
          %rem3A_225 = arith.constant 2 : i32
          %rem3A_226 = arith.remui %while3A_144, %rem3A_225 : i32
          %rem3A_227 = arith.constant 2 : i32
          %rem3A_228 = arith.remui %while3A_145, %rem3A_227 : i32
          %run_scoped3A_229 = arith.constant 0 : i32
          "tpu.trace_start"() <{level = 10 : i32, message = "ep_run_kernel"}> : () -> ()
          "tpu.region"() ({
            %run_scoped3A_294 = tpu.sem_alloc : memref<!tpu.dma_semaphore, #tpu.memory_space<semaphore_mem>>
            %dma_start3A_295 = arith.constant 0 : i32
            %dma_start3A_296 = arith.constant 0 : i32
            %dma_start3A_297 = tpu.memref_slice %run_scoped3A_18[%rem3A_228, %dma_start3A_295, %dma_start3A_296] : memref<2x128x128xf32, #tpu.memory_space<vmem>> -> memref<1x128x128xf32, #tpu.memory_space<vmem>>
            %dma_start3A_298 = tpu.memref_squeeze %dma_start3A_297 : memref<1x128x128xf32, #tpu.memory_space<vmem>> -> memref<128x128xf32, #tpu.memory_space<vmem>>
            %dma_start3A_299 = arith.constant 0 : i32
            %dma_start3A_300 = arith.constant 0 : i32
            %dma_start3A_301 = tpu.memref_slice %run_scoped3A[%rem3A_226, %dma_start3A_299, %dma_start3A_300] : memref<2x1x128xi32, #tpu.memory_space<vmem>> -> memref<1x1x128xi32, #tpu.memory_space<vmem>>
            %dma_start3A_302 = tpu.memref_squeeze %dma_start3A_301 : memref<1x1x128xi32, #tpu.memory_space<vmem>> -> memref<1x128xi32, #tpu.memory_space<vmem>>
            %dma_start3A_303 = arith.constant 0 : i32
            %dma_start3A_304 = tpu.memref_slice %dma_start3A_302[%run_scoped3A_229, %dma_start3A_303] : memref<1x128xi32, #tpu.memory_space<vmem>> -> memref<1x128xi32, #tpu.memory_space<vmem>>
            %dma_start3A_305 = tpu.memref_squeeze %dma_start3A_304 : memref<1x128xi32, #tpu.memory_space<vmem>> -> memref<128xi32, #tpu.memory_space<vmem>>
            %dma_start3A_306 = arith.constant 0 : i32
            %dma_start3A_307 = arith.constant 0 : i32
            %dma_start3A_308 = tpu.memref_slice %arg2[%dma_start3A_306, %dma_start3A_307] : memref<1000x128xf32, #tpu.memory_space<hbm>> -> memref<1000x128xf32, #tpu.memory_space<hbm>>
            tpu.enqueue_indirect_dma source(%dma_start3A_308 : memref<1000x128xf32, #tpu.memory_space<hbm>>) target(%dma_start3A_298 : memref<128x128xf32, #tpu.memory_space<vmem>>) offsets(%dma_start3A_305 : memref<128xi32, #tpu.memory_space<vmem>>) semaphore(%run_scoped3A_294 : memref<!tpu.dma_semaphore, #tpu.memory_space<semaphore_mem>>)
            %dma_wait3A = arith.constant 0 : i32
            %dma_wait3A_309 = arith.constant 0 : i32
            %dma_wait3A_310 = tpu.memref_slice %run_scoped3A_18[%rem3A_228, %dma_wait3A, %dma_wait3A_309] : memref<2x128x128xf32, #tpu.memory_space<vmem>> -> memref<1x128x128xf32, #tpu.memory_space<vmem>>
            %dma_wait3A_311 = tpu.memref_squeeze %dma_wait3A_310 : memref<1x128x128xf32, #tpu.memory_space<vmem>> -> memref<128x128xf32, #tpu.memory_space<vmem>>
            %dma_wait3A_312 = arith.constant 0 : i32
            %dma_wait3A_313 = arith.constant 0 : i32
            %dma_wait3A_314 = tpu.memref_slice %run_scoped3A[%rem3A_226, %dma_wait3A_312, %dma_wait3A_313] : memref<2x1x128xi32, #tpu.memory_space<vmem>> -> memref<1x1x128xi32, #tpu.memory_space<vmem>>
            %dma_wait3A_315 = tpu.memref_squeeze %dma_wait3A_314 : memref<1x1x128xi32, #tpu.memory_space<vmem>> -> memref<1x128xi32, #tpu.memory_space<vmem>>
            %dma_wait3A_316 = arith.constant 0 : i32
            %dma_wait3A_317 = tpu.memref_slice %dma_wait3A_315[%run_scoped3A_229, %dma_wait3A_316] : memref<1x128xi32, #tpu.memory_space<vmem>> -> memref<1x128xi32, #tpu.memory_space<vmem>>
            %dma_wait3A_318 = tpu.memref_squeeze %dma_wait3A_317 : memref<1x128xi32, #tpu.memory_space<vmem>> -> memref<128xi32, #tpu.memory_space<vmem>>
            %dma_wait3A_319 = arith.constant 0 : i32
            %dma_wait3A_320 = arith.constant 0 : i32
            %dma_wait3A_321 = tpu.memref_slice %arg2[%dma_wait3A_319, %dma_wait3A_320] : memref<1000x128xf32, #tpu.memory_space<hbm>> -> memref<1000x128xf32, #tpu.memory_space<hbm>>
            tpu.wait_indirect_dma semaphore(%run_scoped3A_294 : memref<!tpu.dma_semaphore, #tpu.memory_space<semaphore_mem>>) src(%dma_wait3A_321 : memref<1000x128xf32, #tpu.memory_space<hbm>>) dst(%dma_wait3A_311 : memref<128x128xf32, #tpu.memory_space<vmem>>)
            tpu.yield
          }) : () -> ()
          "tpu.trace_stop"() : () -> ()
          %ne3A_230 = arith.cmpi ne, %add3A_155, %add3A_173 : i32
          %or3A_231 = arith.constant false
          %or3A_232 = arith.ori %or3A_231, %ne3A_230 : i1
          %or3A_233 = arith.ori %or3A_232, %eq3A_154 : i1
          %convert_element_type3A_234 = arith.extui %or3A_233 : i1 to i32
          %cond3A_235 = arith.constant 0 : i32
          %cond3A_236 = arith.cmpi ne, %convert_element_type3A_234, %cond3A_235 : i32
          scf.if %cond3A_236 {
          } else {
          }
          %and3A_237 = arith.constant false
          %and3A_238 = arith.andi %or3A_233, %and3A_237 : i1
          %ne3A_239 = arith.cmpi ne, %add3A_155, %add3A_173 : i32
          %or3A_240 = arith.constant false
          %or3A_241 = arith.ori %or3A_240, %ne3A_239 : i1
          %or3A_242 = arith.constant false
          %or3A_243 = arith.ori %or3A_241, %or3A_242 : i1
          %or3A_244 = arith.ori %or3A_243, %eq3A_154 : i1
          %convert_element_type3A_245 = arith.extui %or3A_244 : i1 to i32
          %cond3A_246 = arith.constant 0 : i32
          %cond3A_247 = arith.cmpi ne, %convert_element_type3A_245, %cond3A_246 : i32
          scf.if %cond3A_247 {
            "tpu.trace_start"() <{level = 10 : i32, message = "ep_copy_out"}> : () -> ()
            %rem3A_294 = arith.constant 2 : i32
            %rem3A_295 = arith.remui %while3A_145, %rem3A_294 : i32
            %mul3A_296 = arith.constant 128 : i32
            %mul3A_297 = arith.muli %mul3A_296, %add3A_155 : i32
            %dma_start3A_298 = arith.constant 0 : i32
            %dma_start3A_299 = arith.constant 0 : i32
            %dma_start3A_300 = tpu.memref_slice %run_scoped3A_18[%rem3A_295, %dma_start3A_298, %dma_start3A_299] : memref<2x128x128xf32, #tpu.memory_space<vmem>> -> memref<1x128x128xf32, #tpu.memory_space<vmem>>
            %dma_start3A_301 = tpu.memref_squeeze %dma_start3A_300 : memref<1x128x128xf32, #tpu.memory_space<vmem>> -> memref<128x128xf32, #tpu.memory_space<vmem>>
            %dma_start3A_302 = arith.constant 0 : i32
            %dma_start3A_303 = tpu.memref_slice %arg4[%mul3A_297, %dma_start3A_302] : memref<6400x128xf32, #tpu.memory_space<hbm>> -> memref<128x128xf32, #tpu.memory_space<hbm>>
            %dma_start3A_304 = tpu.memref_slice %run_scoped3A_19[%rem3A_295] : memref<2x!tpu.dma_semaphore, #tpu.memory_space<semaphore_mem>> -> memref<1x!tpu.dma_semaphore, #tpu.memory_space<semaphore_mem>>
            %dma_start3A_305 = tpu.memref_squeeze %dma_start3A_304 : memref<1x!tpu.dma_semaphore, #tpu.memory_space<semaphore_mem>> -> memref<!tpu.dma_semaphore, #tpu.memory_space<semaphore_mem>>
            %dma_start3A_306 = arith.constant 0 : i32
            %dma_start3A_307 = tpu.memref_slice %arg4[%mul3A_297, %dma_start3A_306] : memref<6400x128xf32, #tpu.memory_space<hbm>> -> memref<128x128xf32, #tpu.memory_space<hbm>>
            %dma_start3A_308 = arith.constant 0 : i32
            %dma_start3A_309 = arith.constant 0 : i32
            %dma_start3A_310 = tpu.memref_slice %run_scoped3A_18[%rem3A_295, %dma_start3A_308, %dma_start3A_309] : memref<2x128x128xf32, #tpu.memory_space<vmem>> -> memref<1x128x128xf32, #tpu.memory_space<vmem>>
            %dma_start3A_311 = tpu.memref_squeeze %dma_start3A_310 : memref<1x128x128xf32, #tpu.memory_space<vmem>> -> memref<128x128xf32, #tpu.memory_space<vmem>>
            tpu.enqueue_dma source(%dma_start3A_311 : memref<128x128xf32, #tpu.memory_space<vmem>>) target(%dma_start3A_307 : memref<128x128xf32, #tpu.memory_space<hbm>>) target_semaphore(%dma_start3A_305 : memref<!tpu.dma_semaphore, #tpu.memory_space<semaphore_mem>>)
            "tpu.trace_stop"() : () -> ()
          } else {
          }
          %and3A_248 = arith.constant true
          %and3A_249 = arith.andi %or3A_244, %and3A_248 : i1
          %add3A_250 = arith.constant 1 : i32
          %add3A_251 = arith.addi %while3A_145, %add3A_250 : i32
          %select_n3A_252 = arith.select %and3A_249, %add3A_251, %while3A_145 : i32
          %ne3A_253 = arith.cmpi ne, %add3A_155, %add3A_165 : i32
          %or3A_254 = arith.constant false
          %or3A_255 = arith.ori %or3A_254, %ne3A_253 : i1
          %not3A_256 = arith.constant true
          %not3A_257 = arith.xori %eq3A_151, %not3A_256 : i1
          %and3A_258 = arith.andi %or3A_255, %not3A_257 : i1
          %convert_element_type3A_259 = arith.extui %and3A_258 : i1 to i32
          %cond3A_260 = arith.constant 0 : i32
          %cond3A_261 = arith.cmpi ne, %convert_element_type3A_259, %cond3A_260 : i32
          scf.if %cond3A_261 {
          } else {
          }
          %and3A_262 = arith.constant false
          %and3A_263 = arith.andi %and3A_258, %and3A_262 : i1
          %ne3A_264 = arith.cmpi ne, %add3A_155, %add3A_165 : i32
          %or3A_265 = arith.constant false
          %or3A_266 = arith.ori %or3A_265, %ne3A_264 : i1
          %or3A_267 = arith.constant false
          %or3A_268 = arith.ori %or3A_266, %or3A_267 : i1
          %not3A_269 = arith.constant true
          %not3A_270 = arith.xori %eq3A_151, %not3A_269 : i1
          %and3A_271 = arith.andi %or3A_268, %not3A_270 : i1
          %convert_element_type3A_272 = arith.extui %and3A_271 : i1 to i32
          %cond3A_273 = arith.constant 0 : i32
          %cond3A_274 = arith.cmpi ne, %convert_element_type3A_272, %cond3A_273 : i32
          scf.if %cond3A_274 {
            "tpu.trace_start"() <{level = 10 : i32, message = "ep_wait_out"}> : () -> ()
            %rem3A_294 = arith.constant 2 : i32
            %rem3A_295 = arith.remui %while3A_146, %rem3A_294 : i32
            %mul3A_296 = arith.constant 128 : i32
            %mul3A_297 = arith.muli %mul3A_296, %add3A_165 : i32
            %dma_wait3A = arith.constant 0 : i32
            %dma_wait3A_298 = arith.constant 0 : i32
            %dma_wait3A_299 = tpu.memref_slice %run_scoped3A_18[%rem3A_295, %dma_wait3A, %dma_wait3A_298] : memref<2x128x128xf32, #tpu.memory_space<vmem>> -> memref<1x128x128xf32, #tpu.memory_space<vmem>>
            %dma_wait3A_300 = tpu.memref_squeeze %dma_wait3A_299 : memref<1x128x128xf32, #tpu.memory_space<vmem>> -> memref<128x128xf32, #tpu.memory_space<vmem>>
            %dma_wait3A_301 = arith.constant 0 : i32
            %dma_wait3A_302 = tpu.memref_slice %arg4[%mul3A_297, %dma_wait3A_301] : memref<6400x128xf32, #tpu.memory_space<hbm>> -> memref<128x128xf32, #tpu.memory_space<hbm>>
            %dma_wait3A_303 = tpu.memref_slice %run_scoped3A_19[%rem3A_295] : memref<2x!tpu.dma_semaphore, #tpu.memory_space<semaphore_mem>> -> memref<1x!tpu.dma_semaphore, #tpu.memory_space<semaphore_mem>>
            %dma_wait3A_304 = tpu.memref_squeeze %dma_wait3A_303 : memref<1x!tpu.dma_semaphore, #tpu.memory_space<semaphore_mem>> -> memref<!tpu.dma_semaphore, #tpu.memory_space<semaphore_mem>>
            %dma_wait3A_305 = arith.constant 0 : i32
            %dma_wait3A_306 = tpu.memref_slice %arg4[%mul3A_297, %dma_wait3A_305] : memref<6400x128xf32, #tpu.memory_space<hbm>> -> memref<128x128xf32, #tpu.memory_space<hbm>>
            %dma_wait3A_307 = arith.constant 0 : i32
            %dma_wait3A_308 = arith.constant 0 : i32
            %dma_wait3A_309 = tpu.memref_slice %run_scoped3A_18[%rem3A_295, %dma_wait3A_307, %dma_wait3A_308] : memref<2x128x128xf32, #tpu.memory_space<vmem>> -> memref<1x128x128xf32, #tpu.memory_space<vmem>>
            %dma_wait3A_310 = tpu.memref_squeeze %dma_wait3A_309 : memref<1x128x128xf32, #tpu.memory_space<vmem>> -> memref<128x128xf32, #tpu.memory_space<vmem>>
            tpu.wait_dma2 semaphore(%dma_wait3A_304 : memref<!tpu.dma_semaphore, #tpu.memory_space<semaphore_mem>>) src(%dma_wait3A_310 : memref<128x128xf32, #tpu.memory_space<vmem>>) dst(%dma_wait3A_306 : memref<128x128xf32, #tpu.memory_space<hbm>>)
            "tpu.trace_stop"() : () -> ()
          } else {
          }
          %and3A_275 = arith.constant true
          %and3A_276 = arith.andi %and3A_271, %and3A_275 : i1
          %add3A_277 = arith.constant 1 : i32
          %add3A_278 = arith.addi %while3A_146, %add3A_277 : i32
          %select_n3A_279 = arith.select %and3A_276, %add3A_278, %while3A_146 : i32
          %ne3A_280 = arith.cmpi ne, %add3A_155, %add3A_173 : i32
          %or3A_281 = arith.constant false
          %or3A_282 = arith.ori %or3A_281, %ne3A_280 : i1
          %or3A_283 = arith.ori %or3A_282, %eq3A_154 : i1
          %add3A_284 = arith.constant 1 : i32
          %add3A_285 = arith.addi %while3A_144, %add3A_284 : i32
          %select_n3A_286 = arith.select %or3A_283, %add3A_285, %while3A_144 : i32
          %add3A_287 = arith.constant 1 : i32
          %add3A_288 = arith.addi %while3A_147, %add3A_287 : i32
          %select_n3A_289 = arith.constant true
          %select_n3A_290 = arith.select %select_n3A_289, %add3A_288, %while3A_147 : i32
          %eq3A_291 = arith.cmpi eq, %select_n3A_290, %select_n3A : i32
          %select_n3A_292 = arith.constant 0 : i32
          %select_n3A_293 = arith.select %eq3A_291, %select_n3A_292, %select_n3A_290 : i32
          scf.yield %select_n3A_195, %select_n3A_286, %select_n3A_252, %select_n3A_279, %select_n3A_293 : i32, i32, i32, i32, i32
        }
        %sub3A_91 = arith.constant 1 : i32
        %sub3A_92 = arith.subi %while3A_90#4, %sub3A_91 : i32
        %select_n3A_93 = arith.constant true
        %select_n3A_94 = arith.select %select_n3A_93, %sub3A_92, %while3A_90#4 : i32
        %eq3A_95 = arith.constant -1 : i32
        %eq3A_96 = arith.cmpi eq, %select_n3A_94, %eq3A_95 : i32
        %sub3A_97 = arith.constant 1 : i32
        %sub3A_98 = arith.subi %select_n3A, %sub3A_97 : i32
        %select_n3A_99 = arith.select %eq3A_96, %sub3A_98, %select_n3A_94 : i32
        %sub3A_100 = arith.constant 1 : i32
        %sub3A_101 = arith.subi %mul3A_16, %sub3A_100 : i32
        %mul3A_102 = arith.constant 1 : i32
        %mul3A_103 = arith.muli %mul3A_102, %select_n3A : i32
        %eq3A_104 = arith.constant 0 : i32
        %eq3A_105 = arith.cmpi eq, %sub3A_101, %eq3A_104 : i32
        %sub3A_106 = arith.constant 1 : i32
        %sub3A_107 = arith.subi %mul3A_103, %sub3A_106 : i32
        %eq3A_108 = arith.cmpi eq, %sub3A_101, %sub3A_107 : i32
        %add3A_109 = arith.addi %select_n3A_99, %select_n3A_14 : i32
        %sub3A_110 = arith.constant 1 : i32
        %sub3A_111 = arith.subi %select_n3A_99, %sub3A_110 : i32
        %select_n3A_112 = arith.constant true
        %select_n3A_113 = arith.select %select_n3A_112, %sub3A_111, %select_n3A_99 : i32
        %eq3A_114 = arith.constant -1 : i32
        %eq3A_115 = arith.cmpi eq, %select_n3A_113, %eq3A_114 : i32
        %sub3A_116 = arith.constant 1 : i32
        %sub3A_117 = arith.subi %select_n3A, %sub3A_116 : i32
        %select_n3A_118 = arith.select %eq3A_115, %sub3A_117, %select_n3A_113 : i32
        %add3A_119 = arith.addi %select_n3A_118, %select_n3A_14 : i32
        %add3A_120 = arith.constant 1 : i32
        %add3A_121 = arith.addi %select_n3A_99, %add3A_120 : i32
        %select_n3A_122 = arith.constant true
        %select_n3A_123 = arith.select %select_n3A_122, %add3A_121, %select_n3A_99 : i32
        %eq3A_124 = arith.cmpi eq, %select_n3A_123, %select_n3A : i32
        %select_n3A_125 = arith.constant 0 : i32
        %select_n3A_126 = arith.select %eq3A_124, %select_n3A_125, %select_n3A_123 : i32
        %add3A_127 = arith.addi %select_n3A_126, %select_n3A_14 : i32
        %add3A_128 = arith.constant 1 : i32
        %add3A_129 = arith.addi %select_n3A_126, %add3A_128 : i32
        %select_n3A_130 = arith.constant true
        %select_n3A_131 = arith.select %select_n3A_130, %add3A_129, %select_n3A_126 : i32
        %eq3A_132 = arith.cmpi eq, %select_n3A_131, %select_n3A : i32
        %select_n3A_133 = arith.constant 0 : i32
        %select_n3A_134 = arith.select %eq3A_132, %select_n3A_133, %select_n3A_131 : i32
        %add3A_135 = arith.addi %select_n3A_134, %select_n3A_14 : i32
        %convert_element_type3A_136 = arith.extui %eq3A_108 : i1 to i32
        %cond3A_137 = arith.constant 0 : i32
        %cond3A_138 = arith.cmpi ne, %convert_element_type3A_136, %cond3A_137 : i32
        scf.if %cond3A_138 {
        } else {
        }
        %convert_element_type3A_139 = arith.extui %eq3A_108 : i1 to i32
        %cond3A_140 = arith.constant 0 : i32
        %cond3A_141 = arith.cmpi ne, %convert_element_type3A_139, %cond3A_140 : i32
        scf.if %cond3A_141 {
          "tpu.trace_start"() <{level = 10 : i32, message = "ep_finalize"}> : () -> ()
          %rem3A_142 = arith.constant 2 : i32
          %rem3A_143 = arith.remui %while3A_90#3, %rem3A_142 : i32
          %mul3A_144 = arith.constant 128 : i32
          %mul3A_145 = arith.muli %mul3A_144, %add3A_109 : i32
          %dma_wait3A = arith.constant 0 : i32
          %dma_wait3A_146 = arith.constant 0 : i32
          %dma_wait3A_147 = tpu.memref_slice %run_scoped3A_18[%rem3A_143, %dma_wait3A, %dma_wait3A_146] : memref<2x128x128xf32, #tpu.memory_space<vmem>> -> memref<1x128x128xf32, #tpu.memory_space<vmem>>
          %dma_wait3A_148 = tpu.memref_squeeze %dma_wait3A_147 : memref<1x128x128xf32, #tpu.memory_space<vmem>> -> memref<128x128xf32, #tpu.memory_space<vmem>>
          %dma_wait3A_149 = arith.constant 0 : i32
          %dma_wait3A_150 = tpu.memref_slice %arg4[%mul3A_145, %dma_wait3A_149] : memref<6400x128xf32, #tpu.memory_space<hbm>> -> memref<128x128xf32, #tpu.memory_space<hbm>>
          %dma_wait3A_151 = tpu.memref_slice %run_scoped3A_19[%rem3A_143] : memref<2x!tpu.dma_semaphore, #tpu.memory_space<semaphore_mem>> -> memref<1x!tpu.dma_semaphore, #tpu.memory_space<semaphore_mem>>
          %dma_wait3A_152 = tpu.memref_squeeze %dma_wait3A_151 : memref<1x!tpu.dma_semaphore, #tpu.memory_space<semaphore_mem>> -> memref<!tpu.dma_semaphore, #tpu.memory_space<semaphore_mem>>
          %dma_wait3A_153 = arith.constant 0 : i32
          %dma_wait3A_154 = tpu.memref_slice %arg4[%mul3A_145, %dma_wait3A_153] : memref<6400x128xf32, #tpu.memory_space<hbm>> -> memref<128x128xf32, #tpu.memory_space<hbm>>
          %dma_wait3A_155 = arith.constant 0 : i32
          %dma_wait3A_156 = arith.constant 0 : i32
          %dma_wait3A_157 = tpu.memref_slice %run_scoped3A_18[%rem3A_143, %dma_wait3A_155, %dma_wait3A_156] : memref<2x128x128xf32, #tpu.memory_space<vmem>> -> memref<1x128x128xf32, #tpu.memory_space<vmem>>
          %dma_wait3A_158 = tpu.memref_squeeze %dma_wait3A_157 : memref<1x128x128xf32, #tpu.memory_space<vmem>> -> memref<128x128xf32, #tpu.memory_space<vmem>>
          tpu.wait_dma2 semaphore(%dma_wait3A_152 : memref<!tpu.dma_semaphore, #tpu.memory_space<semaphore_mem>>) src(%dma_wait3A_158 : memref<128x128xf32, #tpu.memory_space<vmem>>) dst(%dma_wait3A_154 : memref<128x128xf32, #tpu.memory_space<hbm>>)
          "tpu.trace_stop"() : () -> ()
        } else {
        }
      } else {
      }
      tpu.yield
    }) : () -> ()
    return
  }
}

module attributes {stable_mosaic.version = 14 : i64} {
  func.func @_fc_body(%arg0: i32, %arg1: memref<50x64x256xbf16, #tpu.memory_space<vmem>>, %arg2: memref<1000x256xbf16, #tpu.memory_space<vmem>>, %arg3: memref<1000x1xf32, #tpu.memory_space<vmem>>, %arg4: memref<1000x3200xf32, #tpu.memory_space<vmem>>) attributes {dimension_semantics = [#tpu.dimension_semantics<arbitrary>], iteration_bounds = array<i64: 2>, scalar_prefetch = 0 : i64, scratch_operands = 0 : i64, tpu.core_type = #tpu.core_type<tc>, window_params = [{transform_indices = @transform_0, window_bounds = array<i64: 50, 64, 256>}, {pipeline_mode = #tpu.pipeline_mode<synchronous>, transform_indices = @transform_1, window_bounds = array<i64: 1000, 256>}, {pipeline_mode = #tpu.pipeline_mode<synchronous>, transform_indices = @transform_2, window_bounds = array<i64: 1000, 1>}, {transform_indices = @transform_3, window_bounds = array<i64: 1000, 3200>}]} {
    %get3A = arith.constant 0 : index
    %get3A_0 = arith.constant 0 : index
    %get3A_1 = arith.constant 0 : index
    %get3A_2 = vector.load %arg1[%get3A, %get3A_0, %get3A_1] : memref<50x64x256xbf16, #tpu.memory_space<vmem>>, vector<50x64x256xbf16>
    %transpose3A = tpu.transpose %get3A_2, [1, 0, 2] : vector<50x64x256xbf16> -> vector<64x50x256xbf16>
    %reshape3A = vector.shape_cast %transpose3A : vector<64x50x256xbf16> to vector<3200x256xbf16>
    %get3A_3 = arith.constant 0 : index
    %get3A_4 = arith.constant 0 : index
    %get3A_5 = vector.load %arg2[%get3A_3, %get3A_4] : memref<1000x256xbf16, #tpu.memory_space<vmem>>, vector<1000x256xbf16>
    %dot_general3A = arith.constant dense<0.000000e+00> : vector<1000x3200xf32>
    %dot_general3A_6 = tpu.matmul %get3A_5, %reshape3A, %dot_general3A {dimension_numbers = #tpu.dot_dimension_numbers<[1], [1], [0], [0], [0, 0, 1, 0], [], []>, transpose_lhs_hint = false} : vector<1000x256xbf16>, vector<3200x256xbf16>, vector<1000x3200xf32> -> vector<1000x3200xf32>
    %get3A_7 = arith.constant 0 : index
    %get3A_8 = arith.constant 0 : index
    %get3A_9 = vector.load %arg3[%get3A_7, %get3A_8] : memref<1000x1xf32, #tpu.memory_space<vmem>>, vector<1000x1xf32>
    %add3A = vector.broadcast %get3A_9 : vector<1000x1xf32> to vector<1000x3200xf32>
    %add3A_10 = arith.addf %dot_general3A_6, %add3A : vector<1000x3200xf32>
    %swap3A = arith.constant 0 : index
    %swap3A_11 = arith.constant 0 : index
    %swap3A_12 = vector.load %arg4[%swap3A, %swap3A_11] : memref<1000x3200xf32, #tpu.memory_space<vmem>>, vector<1000x3200xf32>
    tpu.vector_store %arg4[%swap3A, %swap3A_11], %add3A_10 {strides = array<i32>} : memref<1000x3200xf32, #tpu.memory_space<vmem>>, vector<1000x3200xf32>,
    return
  }
  func.func @transform_0(%arg0: i32) -> (i32, i32, i32) {
    %c0_i32 = arith.constant 0 : i32
    %c0_i32_0 = arith.constant 0 : i32
    %c0_i32_1 = arith.constant 0 : i32
    return %c0_i32, %arg0, %c0_i32_0 : i32, i32, i32
  }
  func.func @transform_1(%arg0: i32) -> (i32, i32) {
    %c0_i32 = arith.constant 0 : i32
    %c0_i32_0 = arith.constant 0 : i32
    %c0_i32_1 = arith.constant 0 : i32
    return %c0_i32, %c0_i32_0 : i32, i32
  }
  func.func @transform_2(%arg0: i32) -> (i32, i32) {
    %c0_i32 = arith.constant 0 : i32
    %c0_i32_0 = arith.constant 0 : i32
    %c0_i32_1 = arith.constant 0 : i32
    return %c0_i32, %c0_i32_0 : i32, i32
  }
  func.func @transform_3(%arg0: i32) -> (i32, i32) {
    %c0_i32 = arith.constant 0 : i32
    %c0_i32_0 = arith.constant 0 : i32
    return %c0_i32, %arg0 : i32, i32
  }
}

module attributes {stable_mosaic.version = 14 : i64} {
  func.func @_body(%arg0: i32, %arg1: memref<10x128x128xf32, #tpu.memory_space<vmem>>, %arg2: memref<2x128x256xf32, #tpu.memory_space<vmem>>, %arg3: memref<2x128x256xf32, #tpu.memory_space<vmem>>, %arg4: memref<1024x128xbf16, #tpu.memory_space<vmem>>, %arg5: memref<1024x256xbf16, #tpu.memory_space<vmem>>, %arg6: memref<1x1024xf32, #tpu.memory_space<vmem>>, %arg7: memref<1024x256xbf16, #tpu.memory_space<vmem>>, %arg8: memref<1024x256xbf16, #tpu.memory_space<vmem>>, %arg9: memref<1x1024xf32, #tpu.memory_space<vmem>>, %arg10: memref<10x128x256xbf16, #tpu.memory_space<vmem>>, %arg11: memref<2x128x256xf32, #tpu.memory_space<vmem>>, %arg12: memref<2x128x256xf32, #tpu.memory_space<vmem>>, %arg13: memref<128x256xf32, #tpu.memory_space<vmem>>, %arg14: memref<128x256xf32, #tpu.memory_space<vmem>>, %arg15: memref<128x256xf32, #tpu.memory_space<vmem>>, %arg16: memref<128x256xf32, #tpu.memory_space<vmem>>) attributes {dimension_semantics = [#tpu.dimension_semantics<arbitrary>], iteration_bounds = array<i64: 5>, scalar_prefetch = 0 : i64, scratch_operands = 4 : i64, tpu.core_type = #tpu.core_type<tc>, window_params = [{transform_indices = @transform_0, window_bounds = array<i64: 10, 128, 128>}, {pipeline_mode = #tpu.pipeline_mode<synchronous>, transform_indices = @transform_1, window_bounds = array<i64: 2, 128, 256>}, {pipeline_mode = #tpu.pipeline_mode<synchronous>, transform_indices = @transform_2, window_bounds = array<i64: 2, 128, 256>}, {pipeline_mode = #tpu.pipeline_mode<synchronous>, transform_indices = @transform_3, window_bounds = array<i64: 1024, 128>}, {pipeline_mode = #tpu.pipeline_mode<synchronous>, transform_indices = @transform_4, window_bounds = array<i64: 1024, 256>}, {pipeline_mode = #tpu.pipeline_mode<synchronous>, transform_indices = @transform_5, window_bounds = array<i64: 1, 1024>}, {pipeline_mode = #tpu.pipeline_mode<synchronous>, transform_indices = @transform_6, window_bounds = array<i64: 1024, 256>}, {pipeline_mode = #tpu.pipeline_mode<synchronous>, transform_indices = @transform_7, window_bounds = array<i64: 1024, 256>}, {pipeline_mode = #tpu.pipeline_mode<synchronous>, transform_indices = @transform_8, window_bounds = array<i64: 1, 1024>}, {transform_indices = @transform_9, window_bounds = array<i64: 10, 128, 256>}, {pipeline_mode = #tpu.pipeline_mode<synchronous>, transform_indices = @transform_10, window_bounds = array<i64: 2, 128, 256>}, {pipeline_mode = #tpu.pipeline_mode<synchronous>, transform_indices = @transform_11, window_bounds = array<i64: 2, 128, 256>}]} {
    %eq3A = arith.constant 0 : i32
    %eq3A_0 = arith.cmpi eq, %arg0, %eq3A : i32
    %convert_element_type3A = arith.extui %eq3A_0 : i1 to i32
    %cond3A = arith.constant 0 : i32
    %cond3A_1 = arith.cmpi ne, %convert_element_type3A, %cond3A : i32
    scf.if %cond3A_1 {
      %get3A_1144 = arith.constant 0 : index
      %get3A_1145 = arith.constant 0 : index
      %get3A_1146 = arith.constant 0 : index
      %get3A_1147 = vector.load %arg2[%get3A_1144, %get3A_1145, %get3A_1146] : memref<2x128x256xf32, #tpu.memory_space<vmem>>, vector<1x128x256xf32>
      %get3A_1148 = vector.shape_cast %get3A_1147 : vector<1x128x256xf32> to vector<128x256xf32>
      %swap3A_1149 = arith.constant 0 : index
      %swap3A_1150 = arith.constant 0 : index
      %swap3A_1151 = vector.load %arg13[%swap3A_1149, %swap3A_1150] : memref<128x256xf32, #tpu.memory_space<vmem>>, vector<128x256xf32>
      tpu.vector_store %arg13[%swap3A_1149, %swap3A_1150], %get3A_1148 {strides = array<i32>} : memref<128x256xf32, #tpu.memory_space<vmem>>, vector<128x256xf32>,
      %get3A_1152 = arith.constant 0 : index
      %get3A_1153 = arith.constant 0 : index
      %get3A_1154 = arith.constant 0 : index
      %get3A_1155 = vector.load %arg3[%get3A_1152, %get3A_1153, %get3A_1154] : memref<2x128x256xf32, #tpu.memory_space<vmem>>, vector<1x128x256xf32>
      %get3A_1156 = vector.shape_cast %get3A_1155 : vector<1x128x256xf32> to vector<128x256xf32>
      %swap3A_1157 = arith.constant 0 : index
      %swap3A_1158 = arith.constant 0 : index
      %swap3A_1159 = vector.load %arg14[%swap3A_1157, %swap3A_1158] : memref<128x256xf32, #tpu.memory_space<vmem>>, vector<128x256xf32>
      tpu.vector_store %arg14[%swap3A_1157, %swap3A_1158], %get3A_1156 {strides = array<i32>} : memref<128x256xf32, #tpu.memory_space<vmem>>, vector<128x256xf32>,
      %get3A_1160 = arith.constant 1 : index
      %get3A_1161 = arith.constant 0 : index
      %get3A_1162 = arith.constant 0 : index
      %get3A_1163 = vector.load %arg2[%get3A_1160, %get3A_1161, %get3A_1162] : memref<2x128x256xf32, #tpu.memory_space<vmem>>, vector<1x128x256xf32>
      %get3A_1164 = vector.shape_cast %get3A_1163 : vector<1x128x256xf32> to vector<128x256xf32>
      %swap3A_1165 = arith.constant 0 : index
      %swap3A_1166 = arith.constant 0 : index
      %swap3A_1167 = vector.load %arg15[%swap3A_1165, %swap3A_1166] : memref<128x256xf32, #tpu.memory_space<vmem>>, vector<128x256xf32>
      tpu.vector_store %arg15[%swap3A_1165, %swap3A_1166], %get3A_1164 {strides = array<i32>} : memref<128x256xf32, #tpu.memory_space<vmem>>, vector<128x256xf32>,
      %get3A_1168 = arith.constant 1 : index
      %get3A_1169 = arith.constant 0 : index
      %get3A_1170 = arith.constant 0 : index
      %get3A_1171 = vector.load %arg3[%get3A_1168, %get3A_1169, %get3A_1170] : memref<2x128x256xf32, #tpu.memory_space<vmem>>, vector<1x128x256xf32>
      %get3A_1172 = vector.shape_cast %get3A_1171 : vector<1x128x256xf32> to vector<128x256xf32>
      %swap3A_1173 = arith.constant 0 : index
      %swap3A_1174 = arith.constant 0 : index
      %swap3A_1175 = vector.load %arg16[%swap3A_1173, %swap3A_1174] : memref<128x256xf32, #tpu.memory_space<vmem>>, vector<128x256xf32>
      tpu.vector_store %arg16[%swap3A_1173, %swap3A_1174], %get3A_1172 {strides = array<i32>} : memref<128x256xf32, #tpu.memory_space<vmem>>, vector<128x256xf32>,
    } else {
    }
    %get3A = arith.constant 0 : index
    %get3A_2 = arith.constant 0 : index
    %get3A_3 = arith.constant 0 : index
    %get3A_4 = vector.load %arg1[%get3A, %get3A_2, %get3A_3] : memref<10x128x128xf32, #tpu.memory_space<vmem>>, vector<10x128x128xf32>
    %reshape3A = vector.shape_cast %get3A_4 : vector<10x128x128xf32> to vector<1280x128xf32>
    %convert_element_type3A_5 = arith.truncf %reshape3A : vector<1280x128xf32> to vector<1280x128xbf16>
    %get3A_6 = arith.constant 0 : index
    %get3A_7 = arith.constant 0 : index
    %get3A_8 = vector.load %arg4[%get3A_6, %get3A_7] : memref<1024x128xbf16, #tpu.memory_space<vmem>>, vector<1024x128xbf16>
    %dot_general3A = arith.constant dense<0.000000e+00> : vector<1280x1024xf32>
    %dot_general3A_9 = tpu.matmul %convert_element_type3A_5, %get3A_8, %dot_general3A {dimension_numbers = #tpu.dot_dimension_numbers<[1], [1], [0], [0], [0, 0, 1, 0], [], []>, transpose_lhs_hint = false} : vector<1280x128xbf16>, vector<1024x128xbf16>, vector<1280x1024xf32> -> vector<1280x1024xf32>
    %get3A_10 = arith.constant 0 : index
    %get3A_11 = arith.constant 0 : index
    %get3A_12 = vector.load %arg6[%get3A_10, %get3A_11] : memref<1x1024xf32, #tpu.memory_space<vmem>>, vector<1x1024xf32>
    %add3A = vector.broadcast %get3A_12 : vector<1x1024xf32> to vector<1280x1024xf32>
    %add3A_13 = arith.addf %dot_general3A_9, %add3A : vector<1280x1024xf32>
    %slice3A = vector.extract_strided_slice %add3A_13 {offsets = [0, 0], sizes = [128, 1024], strides = [1, 1]} : vector<1280x1024xf32> to vector<128x1024xf32>
    %get3A_14 = arith.constant 0 : index
    %get3A_15 = arith.constant 0 : index
    %get3A_16 = vector.load %arg13[%get3A_14, %get3A_15] : memref<128x256xf32, #tpu.memory_space<vmem>>, vector<128x256xf32>
    %convert_element_type3A_17 = arith.truncf %get3A_16 : vector<128x256xf32> to vector<128x256xbf16>
    %get3A_18 = arith.constant 0 : index
    %get3A_19 = arith.constant 0 : index
    %get3A_20 = vector.load %arg5[%get3A_18, %get3A_19] : memref<1024x256xbf16, #tpu.memory_space<vmem>>, vector<1024x256xbf16>
    %dot_general3A_21 = arith.constant dense<0.000000e+00> : vector<128x1024xf32>
    %dot_general3A_22 = tpu.matmul %convert_element_type3A_17, %get3A_20, %dot_general3A_21 {dimension_numbers = #tpu.dot_dimension_numbers<[1], [1], [0], [0], [0, 0, 1, 0], [], []>, transpose_lhs_hint = false} : vector<128x256xbf16>, vector<1024x256xbf16>, vector<128x1024xf32> -> vector<128x1024xf32>
    %add3A_23 = arith.addf %slice3A, %dot_general3A_22 : vector<128x1024xf32>
    %slice3A_24 = vector.extract_strided_slice %add3A_23 {offsets = [0, 0], sizes = [128, 256], strides = [1, 1]} : vector<128x1024xf32> to vector<128x256xf32>
    %logistic3A = arith.negf %slice3A_24 : vector<128x256xf32>
    %logistic3A_25 = math.exp %logistic3A : vector<128x256xf32>
    %logistic3A_26 = arith.constant 1.000000e+00 : f32
    %logistic3A_27 = vector.broadcast %logistic3A_26 : f32 to vector<128x256xf32>
    %logistic3A_28 = arith.addf %logistic3A_27, %logistic3A_25 : vector<128x256xf32>
    %logistic3A_29 = arith.divf %logistic3A_27, %logistic3A_28 : vector<128x256xf32>
    %slice3A_30 = vector.extract_strided_slice %add3A_23 {offsets = [0, 256], sizes = [128, 256], strides = [1, 1]} : vector<128x1024xf32> to vector<128x256xf32>
    %logistic3A_31 = arith.negf %slice3A_30 : vector<128x256xf32>
    %logistic3A_32 = math.exp %logistic3A_31 : vector<128x256xf32>
    %logistic3A_33 = arith.constant 1.000000e+00 : f32
    %logistic3A_34 = vector.broadcast %logistic3A_33 : f32 to vector<128x256xf32>
    %logistic3A_35 = arith.addf %logistic3A_34, %logistic3A_32 : vector<128x256xf32>
    %logistic3A_36 = arith.divf %logistic3A_34, %logistic3A_35 : vector<128x256xf32>
    %slice3A_37 = vector.extract_strided_slice %add3A_23 {offsets = [0, 512], sizes = [128, 256], strides = [1, 1]} : vector<128x1024xf32> to vector<128x256xf32>
    %tanh3A = math.tanh %slice3A_37 : vector<128x256xf32>
    %slice3A_38 = vector.extract_strided_slice %add3A_23 {offsets = [0, 768], sizes = [128, 256], strides = [1, 1]} : vector<128x1024xf32> to vector<128x256xf32>
    %logistic3A_39 = arith.negf %slice3A_38 : vector<128x256xf32>
    %logistic3A_40 = math.exp %logistic3A_39 : vector<128x256xf32>
    %logistic3A_41 = arith.constant 1.000000e+00 : f32
    %logistic3A_42 = vector.broadcast %logistic3A_41 : f32 to vector<128x256xf32>
    %logistic3A_43 = arith.addf %logistic3A_42, %logistic3A_40 : vector<128x256xf32>
    %logistic3A_44 = arith.divf %logistic3A_42, %logistic3A_43 : vector<128x256xf32>
    %get3A_45 = arith.constant 0 : index
    %get3A_46 = arith.constant 0 : index
    %get3A_47 = vector.load %arg14[%get3A_45, %get3A_46] : memref<128x256xf32, #tpu.memory_space<vmem>>, vector<128x256xf32>
    %mul3A = arith.mulf %logistic3A_36, %get3A_47 : vector<128x256xf32>
    %mul3A_48 = arith.mulf %logistic3A_29, %tanh3A : vector<128x256xf32>
    %add3A_49 = arith.addf %mul3A, %mul3A_48 : vector<128x256xf32>
    %tanh3A_50 = math.tanh %add3A_49 : vector<128x256xf32>
    %mul3A_51 = arith.mulf %logistic3A_44, %tanh3A_50 : vector<128x256xf32>
    %swap3A = arith.constant 0 : index
    %swap3A_52 = arith.constant 0 : index
    %swap3A_53 = vector.load %arg14[%swap3A, %swap3A_52] : memref<128x256xf32, #tpu.memory_space<vmem>>, vector<128x256xf32>
    tpu.vector_store %arg14[%swap3A, %swap3A_52], %add3A_49 {strides = array<i32>} : memref<128x256xf32, #tpu.memory_space<vmem>>, vector<128x256xf32>,
    %swap3A_54 = arith.constant 0 : index
    %swap3A_55 = arith.constant 0 : index
    %swap3A_56 = vector.load %arg13[%swap3A_54, %swap3A_55] : memref<128x256xf32, #tpu.memory_space<vmem>>, vector<128x256xf32>
    tpu.vector_store %arg13[%swap3A_54, %swap3A_55], %mul3A_51 {strides = array<i32>} : memref<128x256xf32, #tpu.memory_space<vmem>>, vector<128x256xf32>,
    %convert_element_type3A_57 = arith.truncf %mul3A_51 : vector<128x256xf32> to vector<128x256xbf16>
    %get3A_58 = arith.constant 0 : index
    %get3A_59 = arith.constant 0 : index
    %get3A_60 = vector.load %arg7[%get3A_58, %get3A_59] : memref<1024x256xbf16, #tpu.memory_space<vmem>>, vector<1024x256xbf16>
    %dot_general3A_61 = arith.constant dense<0.000000e+00> : vector<128x1024xf32>
    %dot_general3A_62 = tpu.matmul %convert_element_type3A_57, %get3A_60, %dot_general3A_61 {dimension_numbers = #tpu.dot_dimension_numbers<[1], [1], [0], [0], [0, 0, 1, 0], [], []>, transpose_lhs_hint = false} : vector<128x256xbf16>, vector<1024x256xbf16>, vector<128x1024xf32> -> vector<128x1024xf32>
    %get3A_63 = arith.constant 0 : index
    %get3A_64 = arith.constant 0 : index
    %get3A_65 = vector.load %arg15[%get3A_63, %get3A_64] : memref<128x256xf32, #tpu.memory_space<vmem>>, vector<128x256xf32>
    %convert_element_type3A_66 = arith.truncf %get3A_65 : vector<128x256xf32> to vector<128x256xbf16>
    %get3A_67 = arith.constant 0 : index
    %get3A_68 = arith.constant 0 : index
    %get3A_69 = vector.load %arg8[%get3A_67, %get3A_68] : memref<1024x256xbf16, #tpu.memory_space<vmem>>, vector<1024x256xbf16>
    %dot_general3A_70 = arith.constant dense<0.000000e+00> : vector<128x1024xf32>
    %dot_general3A_71 = tpu.matmul %convert_element_type3A_66, %get3A_69, %dot_general3A_70 {dimension_numbers = #tpu.dot_dimension_numbers<[1], [1], [0], [0], [0, 0, 1, 0], [], []>, transpose_lhs_hint = false} : vector<128x256xbf16>, vector<1024x256xbf16>, vector<128x1024xf32> -> vector<128x1024xf32>
    %add3A_72 = arith.addf %dot_general3A_62, %dot_general3A_71 : vector<128x1024xf32>
    %get3A_73 = arith.constant 0 : index
    %get3A_74 = arith.constant 0 : index
    %get3A_75 = vector.load %arg9[%get3A_73, %get3A_74] : memref<1x1024xf32, #tpu.memory_space<vmem>>, vector<1x1024xf32>
    %add3A_76 = vector.broadcast %get3A_75 : vector<1x1024xf32> to vector<128x1024xf32>
    %add3A_77 = arith.addf %add3A_72, %add3A_76 : vector<128x1024xf32>
    %slice3A_78 = vector.extract_strided_slice %add3A_77 {offsets = [0, 0], sizes = [128, 256], strides = [1, 1]} : vector<128x1024xf32> to vector<128x256xf32>
    %logistic3A_79 = arith.negf %slice3A_78 : vector<128x256xf32>
    %logistic3A_80 = math.exp %logistic3A_79 : vector<128x256xf32>
    %logistic3A_81 = arith.constant 1.000000e+00 : f32
    %logistic3A_82 = vector.broadcast %logistic3A_81 : f32 to vector<128x256xf32>
    %logistic3A_83 = arith.addf %logistic3A_82, %logistic3A_80 : vector<128x256xf32>
    %logistic3A_84 = arith.divf %logistic3A_82, %logistic3A_83 : vector<128x256xf32>
    %slice3A_85 = vector.extract_strided_slice %add3A_77 {offsets = [0, 256], sizes = [128, 256], strides = [1, 1]} : vector<128x1024xf32> to vector<128x256xf32>
    %logistic3A_86 = arith.negf %slice3A_85 : vector<128x256xf32>
    %logistic3A_87 = math.exp %logistic3A_86 : vector<128x256xf32>
    %logistic3A_88 = arith.constant 1.000000e+00 : f32
    %logistic3A_89 = vector.broadcast %logistic3A_88 : f32 to vector<128x256xf32>
    %logistic3A_90 = arith.addf %logistic3A_89, %logistic3A_87 : vector<128x256xf32>
    %logistic3A_91 = arith.divf %logistic3A_89, %logistic3A_90 : vector<128x256xf32>
    %slice3A_92 = vector.extract_strided_slice %add3A_77 {offsets = [0, 512], sizes = [128, 256], strides = [1, 1]} : vector<128x1024xf32> to vector<128x256xf32>
    %tanh3A_93 = math.tanh %slice3A_92 : vector<128x256xf32>
    %slice3A_94 = vector.extract_strided_slice %add3A_77 {offsets = [0, 768], sizes = [128, 256], strides = [1, 1]} : vector<128x1024xf32> to vector<128x256xf32>
    %logistic3A_95 = arith.negf %slice3A_94 : vector<128x256xf32>
    %logistic3A_96 = math.exp %logistic3A_95 : vector<128x256xf32>
    %logistic3A_97 = arith.constant 1.000000e+00 : f32
    %logistic3A_98 = vector.broadcast %logistic3A_97 : f32 to vector<128x256xf32>
    %logistic3A_99 = arith.addf %logistic3A_98, %logistic3A_96 : vector<128x256xf32>
    %logistic3A_100 = arith.divf %logistic3A_98, %logistic3A_99 : vector<128x256xf32>
    %get3A_101 = arith.constant 0 : index
    %get3A_102 = arith.constant 0 : index
    %get3A_103 = vector.load %arg16[%get3A_101, %get3A_102] : memref<128x256xf32, #tpu.memory_space<vmem>>, vector<128x256xf32>
    %mul3A_104 = arith.mulf %logistic3A_91, %get3A_103 : vector<128x256xf32>
    %mul3A_105 = arith.mulf %logistic3A_84, %tanh3A_93 : vector<128x256xf32>
    %add3A_106 = arith.addf %mul3A_104, %mul3A_105 : vector<128x256xf32>
    %tanh3A_107 = math.tanh %add3A_106 : vector<128x256xf32>
    %mul3A_108 = arith.mulf %logistic3A_100, %tanh3A_107 : vector<128x256xf32>
    %swap3A_109 = arith.constant 0 : index
    %swap3A_110 = arith.constant 0 : index
    %swap3A_111 = vector.load %arg16[%swap3A_109, %swap3A_110] : memref<128x256xf32, #tpu.memory_space<vmem>>, vector<128x256xf32>
    tpu.vector_store %arg16[%swap3A_109, %swap3A_110], %add3A_106 {strides = array<i32>} : memref<128x256xf32, #tpu.memory_space<vmem>>, vector<128x256xf32>,
    %swap3A_112 = arith.constant 0 : index
    %swap3A_113 = arith.constant 0 : index
    %swap3A_114 = vector.load %arg15[%swap3A_112, %swap3A_113] : memref<128x256xf32, #tpu.memory_space<vmem>>, vector<128x256xf32>
    tpu.vector_store %arg15[%swap3A_112, %swap3A_113], %mul3A_108 {strides = array<i32>} : memref<128x256xf32, #tpu.memory_space<vmem>>, vector<128x256xf32>,
    %convert_element_type3A_115 = arith.truncf %mul3A_108 : vector<128x256xf32> to vector<128x256xbf16>
    %swap3A_116 = arith.constant 0 : index
    %swap3A_117 = arith.constant 0 : index
    %swap3A_118 = arith.constant 0 : index
    %swap3A_119 = vector.load %arg10[%swap3A_116, %swap3A_117, %swap3A_118] : memref<10x128x256xbf16, #tpu.memory_space<vmem>>, vector<1x128x256xbf16>
    %swap3A_120 = vector.shape_cast %swap3A_119 : vector<1x128x256xbf16> to vector<128x256xbf16>
    %swap3A_121 = vector.shape_cast %convert_element_type3A_115 : vector<128x256xbf16> to vector<1x128x256xbf16>
    tpu.vector_store %arg10[%swap3A_116, %swap3A_117, %swap3A_118], %swap3A_121 {strides = array<i32>} : memref<10x128x256xbf16, #tpu.memory_space<vmem>>, vector<1x128x256xbf16>,
    %slice3A_122 = vector.extract_strided_slice %add3A_13 {offsets = [128, 0], sizes = [128, 1024], strides = [1, 1]} : vector<1280x1024xf32> to vector<128x1024xf32>
    %get3A_123 = arith.constant 0 : index
    %get3A_124 = arith.constant 0 : index
    %get3A_125 = vector.load %arg13[%get3A_123, %get3A_124] : memref<128x256xf32, #tpu.memory_space<vmem>>, vector<128x256xf32>
    %convert_element_type3A_126 = arith.truncf %get3A_125 : vector<128x256xf32> to vector<128x256xbf16>
    %get3A_127 = arith.constant 0 : index
    %get3A_128 = arith.constant 0 : index
    %get3A_129 = vector.load %arg5[%get3A_127, %get3A_128] : memref<1024x256xbf16, #tpu.memory_space<vmem>>, vector<1024x256xbf16>
    %dot_general3A_130 = arith.constant dense<0.000000e+00> : vector<128x1024xf32>
    %dot_general3A_131 = tpu.matmul %convert_element_type3A_126, %get3A_129, %dot_general3A_130 {dimension_numbers = #tpu.dot_dimension_numbers<[1], [1], [0], [0], [0, 0, 1, 0], [], []>, transpose_lhs_hint = false} : vector<128x256xbf16>, vector<1024x256xbf16>, vector<128x1024xf32> -> vector<128x1024xf32>
    %add3A_132 = arith.addf %slice3A_122, %dot_general3A_131 : vector<128x1024xf32>
    %slice3A_133 = vector.extract_strided_slice %add3A_132 {offsets = [0, 0], sizes = [128, 256], strides = [1, 1]} : vector<128x1024xf32> to vector<128x256xf32>
    %logistic3A_134 = arith.negf %slice3A_133 : vector<128x256xf32>
    %logistic3A_135 = math.exp %logistic3A_134 : vector<128x256xf32>
    %logistic3A_136 = arith.constant 1.000000e+00 : f32
    %logistic3A_137 = vector.broadcast %logistic3A_136 : f32 to vector<128x256xf32>
    %logistic3A_138 = arith.addf %logistic3A_137, %logistic3A_135 : vector<128x256xf32>
    %logistic3A_139 = arith.divf %logistic3A_137, %logistic3A_138 : vector<128x256xf32>
    %slice3A_140 = vector.extract_strided_slice %add3A_132 {offsets = [0, 256], sizes = [128, 256], strides = [1, 1]} : vector<128x1024xf32> to vector<128x256xf32>
    %logistic3A_141 = arith.negf %slice3A_140 : vector<128x256xf32>
    %logistic3A_142 = math.exp %logistic3A_141 : vector<128x256xf32>
    %logistic3A_143 = arith.constant 1.000000e+00 : f32
    %logistic3A_144 = vector.broadcast %logistic3A_143 : f32 to vector<128x256xf32>
    %logistic3A_145 = arith.addf %logistic3A_144, %logistic3A_142 : vector<128x256xf32>
    %logistic3A_146 = arith.divf %logistic3A_144, %logistic3A_145 : vector<128x256xf32>
    %slice3A_147 = vector.extract_strided_slice %add3A_132 {offsets = [0, 512], sizes = [128, 256], strides = [1, 1]} : vector<128x1024xf32> to vector<128x256xf32>
    %tanh3A_148 = math.tanh %slice3A_147 : vector<128x256xf32>
    %slice3A_149 = vector.extract_strided_slice %add3A_132 {offsets = [0, 768], sizes = [128, 256], strides = [1, 1]} : vector<128x1024xf32> to vector<128x256xf32>
    %logistic3A_150 = arith.negf %slice3A_149 : vector<128x256xf32>
    %logistic3A_151 = math.exp %logistic3A_150 : vector<128x256xf32>
    %logistic3A_152 = arith.constant 1.000000e+00 : f32
    %logistic3A_153 = vector.broadcast %logistic3A_152 : f32 to vector<128x256xf32>
    %logistic3A_154 = arith.addf %logistic3A_153, %logistic3A_151 : vector<128x256xf32>
    %logistic3A_155 = arith.divf %logistic3A_153, %logistic3A_154 : vector<128x256xf32>
    %get3A_156 = arith.constant 0 : index
    %get3A_157 = arith.constant 0 : index
    %get3A_158 = vector.load %arg14[%get3A_156, %get3A_157] : memref<128x256xf32, #tpu.memory_space<vmem>>, vector<128x256xf32>
    %mul3A_159 = arith.mulf %logistic3A_146, %get3A_158 : vector<128x256xf32>
    %mul3A_160 = arith.mulf %logistic3A_139, %tanh3A_148 : vector<128x256xf32>
    %add3A_161 = arith.addf %mul3A_159, %mul3A_160 : vector<128x256xf32>
    %tanh3A_162 = math.tanh %add3A_161 : vector<128x256xf32>
    %mul3A_163 = arith.mulf %logistic3A_155, %tanh3A_162 : vector<128x256xf32>
    %swap3A_164 = arith.constant 0 : index
    %swap3A_165 = arith.constant 0 : index
    %swap3A_166 = vector.load %arg14[%swap3A_164, %swap3A_165] : memref<128x256xf32, #tpu.memory_space<vmem>>, vector<128x256xf32>
    tpu.vector_store %arg14[%swap3A_164, %swap3A_165], %add3A_161 {strides = array<i32>} : memref<128x256xf32, #tpu.memory_space<vmem>>, vector<128x256xf32>,
    %swap3A_167 = arith.constant 0 : index
    %swap3A_168 = arith.constant 0 : index
    %swap3A_169 = vector.load %arg13[%swap3A_167, %swap3A_168] : memref<128x256xf32, #tpu.memory_space<vmem>>, vector<128x256xf32>
    tpu.vector_store %arg13[%swap3A_167, %swap3A_168], %mul3A_163 {strides = array<i32>} : memref<128x256xf32, #tpu.memory_space<vmem>>, vector<128x256xf32>,
    %convert_element_type3A_170 = arith.truncf %mul3A_163 : vector<128x256xf32> to vector<128x256xbf16>
    %get3A_171 = arith.constant 0 : index
    %get3A_172 = arith.constant 0 : index
    %get3A_173 = vector.load %arg7[%get3A_171, %get3A_172] : memref<1024x256xbf16, #tpu.memory_space<vmem>>, vector<1024x256xbf16>
    %dot_general3A_174 = arith.constant dense<0.000000e+00> : vector<128x1024xf32>
    %dot_general3A_175 = tpu.matmul %convert_element_type3A_170, %get3A_173, %dot_general3A_174 {dimension_numbers = #tpu.dot_dimension_numbers<[1], [1], [0], [0], [0, 0, 1, 0], [], []>, transpose_lhs_hint = false} : vector<128x256xbf16>, vector<1024x256xbf16>, vector<128x1024xf32> -> vector<128x1024xf32>
    %get3A_176 = arith.constant 0 : index
    %get3A_177 = arith.constant 0 : index
    %get3A_178 = vector.load %arg15[%get3A_176, %get3A_177] : memref<128x256xf32, #tpu.memory_space<vmem>>, vector<128x256xf32>
    %convert_element_type3A_179 = arith.truncf %get3A_178 : vector<128x256xf32> to vector<128x256xbf16>
    %get3A_180 = arith.constant 0 : index
    %get3A_181 = arith.constant 0 : index
    %get3A_182 = vector.load %arg8[%get3A_180, %get3A_181] : memref<1024x256xbf16, #tpu.memory_space<vmem>>, vector<1024x256xbf16>
    %dot_general3A_183 = arith.constant dense<0.000000e+00> : vector<128x1024xf32>
    %dot_general3A_184 = tpu.matmul %convert_element_type3A_179, %get3A_182, %dot_general3A_183 {dimension_numbers = #tpu.dot_dimension_numbers<[1], [1], [0], [0], [0, 0, 1, 0], [], []>, transpose_lhs_hint = false} : vector<128x256xbf16>, vector<1024x256xbf16>, vector<128x1024xf32> -> vector<128x1024xf32>
    %add3A_185 = arith.addf %dot_general3A_175, %dot_general3A_184 : vector<128x1024xf32>
    %get3A_186 = arith.constant 0 : index
    %get3A_187 = arith.constant 0 : index
    %get3A_188 = vector.load %arg9[%get3A_186, %get3A_187] : memref<1x1024xf32, #tpu.memory_space<vmem>>, vector<1x1024xf32>
    %add3A_189 = vector.broadcast %get3A_188 : vector<1x1024xf32> to vector<128x1024xf32>
    %add3A_190 = arith.addf %add3A_185, %add3A_189 : vector<128x1024xf32>
    %slice3A_191 = vector.extract_strided_slice %add3A_190 {offsets = [0, 0], sizes = [128, 256], strides = [1, 1]} : vector<128x1024xf32> to vector<128x256xf32>
    %logistic3A_192 = arith.negf %slice3A_191 : vector<128x256xf32>
    %logistic3A_193 = math.exp %logistic3A_192 : vector<128x256xf32>
    %logistic3A_194 = arith.constant 1.000000e+00 : f32
    %logistic3A_195 = vector.broadcast %logistic3A_194 : f32 to vector<128x256xf32>
    %logistic3A_196 = arith.addf %logistic3A_195, %logistic3A_193 : vector<128x256xf32>
    %logistic3A_197 = arith.divf %logistic3A_195, %logistic3A_196 : vector<128x256xf32>
    %slice3A_198 = vector.extract_strided_slice %add3A_190 {offsets = [0, 256], sizes = [128, 256], strides = [1, 1]} : vector<128x1024xf32> to vector<128x256xf32>
    %logistic3A_199 = arith.negf %slice3A_198 : vector<128x256xf32>
    %logistic3A_200 = math.exp %logistic3A_199 : vector<128x256xf32>
    %logistic3A_201 = arith.constant 1.000000e+00 : f32
    %logistic3A_202 = vector.broadcast %logistic3A_201 : f32 to vector<128x256xf32>
    %logistic3A_203 = arith.addf %logistic3A_202, %logistic3A_200 : vector<128x256xf32>
    %logistic3A_204 = arith.divf %logistic3A_202, %logistic3A_203 : vector<128x256xf32>
    %slice3A_205 = vector.extract_strided_slice %add3A_190 {offsets = [0, 512], sizes = [128, 256], strides = [1, 1]} : vector<128x1024xf32> to vector<128x256xf32>
    %tanh3A_206 = math.tanh %slice3A_205 : vector<128x256xf32>
    %slice3A_207 = vector.extract_strided_slice %add3A_190 {offsets = [0, 768], sizes = [128, 256], strides = [1, 1]} : vector<128x1024xf32> to vector<128x256xf32>
    %logistic3A_208 = arith.negf %slice3A_207 : vector<128x256xf32>
    %logistic3A_209 = math.exp %logistic3A_208 : vector<128x256xf32>
    %logistic3A_210 = arith.constant 1.000000e+00 : f32
    %logistic3A_211 = vector.broadcast %logistic3A_210 : f32 to vector<128x256xf32>
    %logistic3A_212 = arith.addf %logistic3A_211, %logistic3A_209 : vector<128x256xf32>
    %logistic3A_213 = arith.divf %logistic3A_211, %logistic3A_212 : vector<128x256xf32>
    %get3A_214 = arith.constant 0 : index
    %get3A_215 = arith.constant 0 : index
    %get3A_216 = vector.load %arg16[%get3A_214, %get3A_215] : memref<128x256xf32, #tpu.memory_space<vmem>>, vector<128x256xf32>
    %mul3A_217 = arith.mulf %logistic3A_204, %get3A_216 : vector<128x256xf32>
    %mul3A_218 = arith.mulf %logistic3A_197, %tanh3A_206 : vector<128x256xf32>
    %add3A_219 = arith.addf %mul3A_217, %mul3A_218 : vector<128x256xf32>
    %tanh3A_220 = math.tanh %add3A_219 : vector<128x256xf32>
    %mul3A_221 = arith.mulf %logistic3A_213, %tanh3A_220 : vector<128x256xf32>
    %swap3A_222 = arith.constant 0 : index
    %swap3A_223 = arith.constant 0 : index
    %swap3A_224 = vector.load %arg16[%swap3A_222, %swap3A_223] : memref<128x256xf32, #tpu.memory_space<vmem>>, vector<128x256xf32>
    tpu.vector_store %arg16[%swap3A_222, %swap3A_223], %add3A_219 {strides = array<i32>} : memref<128x256xf32, #tpu.memory_space<vmem>>, vector<128x256xf32>,
    %swap3A_225 = arith.constant 0 : index
    %swap3A_226 = arith.constant 0 : index
    %swap3A_227 = vector.load %arg15[%swap3A_225, %swap3A_226] : memref<128x256xf32, #tpu.memory_space<vmem>>, vector<128x256xf32>
    tpu.vector_store %arg15[%swap3A_225, %swap3A_226], %mul3A_221 {strides = array<i32>} : memref<128x256xf32, #tpu.memory_space<vmem>>, vector<128x256xf32>,
    %convert_element_type3A_228 = arith.truncf %mul3A_221 : vector<128x256xf32> to vector<128x256xbf16>
    %swap3A_229 = arith.constant 1 : index
    %swap3A_230 = arith.constant 0 : index
    %swap3A_231 = arith.constant 0 : index
    %swap3A_232 = vector.load %arg10[%swap3A_229, %swap3A_230, %swap3A_231] : memref<10x128x256xbf16, #tpu.memory_space<vmem>>, vector<1x128x256xbf16>
    %swap3A_233 = vector.shape_cast %swap3A_232 : vector<1x128x256xbf16> to vector<128x256xbf16>
    %swap3A_234 = vector.shape_cast %convert_element_type3A_228 : vector<128x256xbf16> to vector<1x128x256xbf16>
    tpu.vector_store %arg10[%swap3A_229, %swap3A_230, %swap3A_231], %swap3A_234 {strides = array<i32>} : memref<10x128x256xbf16, #tpu.memory_space<vmem>>, vector<1x128x256xbf16>,
    %slice3A_235 = vector.extract_strided_slice %add3A_13 {offsets = [256, 0], sizes = [128, 1024], strides = [1, 1]} : vector<1280x1024xf32> to vector<128x1024xf32>
    %get3A_236 = arith.constant 0 : index
    %get3A_237 = arith.constant 0 : index
    %get3A_238 = vector.load %arg13[%get3A_236, %get3A_237] : memref<128x256xf32, #tpu.memory_space<vmem>>, vector<128x256xf32>
    %convert_element_type3A_239 = arith.truncf %get3A_238 : vector<128x256xf32> to vector<128x256xbf16>
    %get3A_240 = arith.constant 0 : index
    %get3A_241 = arith.constant 0 : index
    %get3A_242 = vector.load %arg5[%get3A_240, %get3A_241] : memref<1024x256xbf16, #tpu.memory_space<vmem>>, vector<1024x256xbf16>
    %dot_general3A_243 = arith.constant dense<0.000000e+00> : vector<128x1024xf32>
    %dot_general3A_244 = tpu.matmul %convert_element_type3A_239, %get3A_242, %dot_general3A_243 {dimension_numbers = #tpu.dot_dimension_numbers<[1], [1], [0], [0], [0, 0, 1, 0], [], []>, transpose_lhs_hint = false} : vector<128x256xbf16>, vector<1024x256xbf16>, vector<128x1024xf32> -> vector<128x1024xf32>
    %add3A_245 = arith.addf %slice3A_235, %dot_general3A_244 : vector<128x1024xf32>
    %slice3A_246 = vector.extract_strided_slice %add3A_245 {offsets = [0, 0], sizes = [128, 256], strides = [1, 1]} : vector<128x1024xf32> to vector<128x256xf32>
    %logistic3A_247 = arith.negf %slice3A_246 : vector<128x256xf32>
    %logistic3A_248 = math.exp %logistic3A_247 : vector<128x256xf32>
    %logistic3A_249 = arith.constant 1.000000e+00 : f32
    %logistic3A_250 = vector.broadcast %logistic3A_249 : f32 to vector<128x256xf32>
    %logistic3A_251 = arith.addf %logistic3A_250, %logistic3A_248 : vector<128x256xf32>
    %logistic3A_252 = arith.divf %logistic3A_250, %logistic3A_251 : vector<128x256xf32>
    %slice3A_253 = vector.extract_strided_slice %add3A_245 {offsets = [0, 256], sizes = [128, 256], strides = [1, 1]} : vector<128x1024xf32> to vector<128x256xf32>
    %logistic3A_254 = arith.negf %slice3A_253 : vector<128x256xf32>
    %logistic3A_255 = math.exp %logistic3A_254 : vector<128x256xf32>
    %logistic3A_256 = arith.constant 1.000000e+00 : f32
    %logistic3A_257 = vector.broadcast %logistic3A_256 : f32 to vector<128x256xf32>
    %logistic3A_258 = arith.addf %logistic3A_257, %logistic3A_255 : vector<128x256xf32>
    %logistic3A_259 = arith.divf %logistic3A_257, %logistic3A_258 : vector<128x256xf32>
    %slice3A_260 = vector.extract_strided_slice %add3A_245 {offsets = [0, 512], sizes = [128, 256], strides = [1, 1]} : vector<128x1024xf32> to vector<128x256xf32>
    %tanh3A_261 = math.tanh %slice3A_260 : vector<128x256xf32>
    %slice3A_262 = vector.extract_strided_slice %add3A_245 {offsets = [0, 768], sizes = [128, 256], strides = [1, 1]} : vector<128x1024xf32> to vector<128x256xf32>
    %logistic3A_263 = arith.negf %slice3A_262 : vector<128x256xf32>
    %logistic3A_264 = math.exp %logistic3A_263 : vector<128x256xf32>
    %logistic3A_265 = arith.constant 1.000000e+00 : f32
    %logistic3A_266 = vector.broadcast %logistic3A_265 : f32 to vector<128x256xf32>
    %logistic3A_267 = arith.addf %logistic3A_266, %logistic3A_264 : vector<128x256xf32>
    %logistic3A_268 = arith.divf %logistic3A_266, %logistic3A_267 : vector<128x256xf32>
    %get3A_269 = arith.constant 0 : index
    %get3A_270 = arith.constant 0 : index
    %get3A_271 = vector.load %arg14[%get3A_269, %get3A_270] : memref<128x256xf32, #tpu.memory_space<vmem>>, vector<128x256xf32>
    %mul3A_272 = arith.mulf %logistic3A_259, %get3A_271 : vector<128x256xf32>
    %mul3A_273 = arith.mulf %logistic3A_252, %tanh3A_261 : vector<128x256xf32>
    %add3A_274 = arith.addf %mul3A_272, %mul3A_273 : vector<128x256xf32>
    %tanh3A_275 = math.tanh %add3A_274 : vector<128x256xf32>
    %mul3A_276 = arith.mulf %logistic3A_268, %tanh3A_275 : vector<128x256xf32>
    %swap3A_277 = arith.constant 0 : index
    %swap3A_278 = arith.constant 0 : index
    %swap3A_279 = vector.load %arg14[%swap3A_277, %swap3A_278] : memref<128x256xf32, #tpu.memory_space<vmem>>, vector<128x256xf32>
    tpu.vector_store %arg14[%swap3A_277, %swap3A_278], %add3A_274 {strides = array<i32>} : memref<128x256xf32, #tpu.memory_space<vmem>>, vector<128x256xf32>,
    %swap3A_280 = arith.constant 0 : index
    %swap3A_281 = arith.constant 0 : index
    %swap3A_282 = vector.load %arg13[%swap3A_280, %swap3A_281] : memref<128x256xf32, #tpu.memory_space<vmem>>, vector<128x256xf32>
    tpu.vector_store %arg13[%swap3A_280, %swap3A_281], %mul3A_276 {strides = array<i32>} : memref<128x256xf32, #tpu.memory_space<vmem>>, vector<128x256xf32>,
    %convert_element_type3A_283 = arith.truncf %mul3A_276 : vector<128x256xf32> to vector<128x256xbf16>
    %get3A_284 = arith.constant 0 : index
    %get3A_285 = arith.constant 0 : index
    %get3A_286 = vector.load %arg7[%get3A_284, %get3A_285] : memref<1024x256xbf16, #tpu.memory_space<vmem>>, vector<1024x256xbf16>
    %dot_general3A_287 = arith.constant dense<0.000000e+00> : vector<128x1024xf32>
    %dot_general3A_288 = tpu.matmul %convert_element_type3A_283, %get3A_286, %dot_general3A_287 {dimension_numbers = #tpu.dot_dimension_numbers<[1], [1], [0], [0], [0, 0, 1, 0], [], []>, transpose_lhs_hint = false} : vector<128x256xbf16>, vector<1024x256xbf16>, vector<128x1024xf32> -> vector<128x1024xf32>
    %get3A_289 = arith.constant 0 : index
    %get3A_290 = arith.constant 0 : index
    %get3A_291 = vector.load %arg15[%get3A_289, %get3A_290] : memref<128x256xf32, #tpu.memory_space<vmem>>, vector<128x256xf32>
    %convert_element_type3A_292 = arith.truncf %get3A_291 : vector<128x256xf32> to vector<128x256xbf16>
    %get3A_293 = arith.constant 0 : index
    %get3A_294 = arith.constant 0 : index
    %get3A_295 = vector.load %arg8[%get3A_293, %get3A_294] : memref<1024x256xbf16, #tpu.memory_space<vmem>>, vector<1024x256xbf16>
    %dot_general3A_296 = arith.constant dense<0.000000e+00> : vector<128x1024xf32>
    %dot_general3A_297 = tpu.matmul %convert_element_type3A_292, %get3A_295, %dot_general3A_296 {dimension_numbers = #tpu.dot_dimension_numbers<[1], [1], [0], [0], [0, 0, 1, 0], [], []>, transpose_lhs_hint = false} : vector<128x256xbf16>, vector<1024x256xbf16>, vector<128x1024xf32> -> vector<128x1024xf32>
    %add3A_298 = arith.addf %dot_general3A_288, %dot_general3A_297 : vector<128x1024xf32>
    %get3A_299 = arith.constant 0 : index
    %get3A_300 = arith.constant 0 : index
    %get3A_301 = vector.load %arg9[%get3A_299, %get3A_300] : memref<1x1024xf32, #tpu.memory_space<vmem>>, vector<1x1024xf32>
    %add3A_302 = vector.broadcast %get3A_301 : vector<1x1024xf32> to vector<128x1024xf32>
    %add3A_303 = arith.addf %add3A_298, %add3A_302 : vector<128x1024xf32>
    %slice3A_304 = vector.extract_strided_slice %add3A_303 {offsets = [0, 0], sizes = [128, 256], strides = [1, 1]} : vector<128x1024xf32> to vector<128x256xf32>
    %logistic3A_305 = arith.negf %slice3A_304 : vector<128x256xf32>
    %logistic3A_306 = math.exp %logistic3A_305 : vector<128x256xf32>
    %logistic3A_307 = arith.constant 1.000000e+00 : f32
    %logistic3A_308 = vector.broadcast %logistic3A_307 : f32 to vector<128x256xf32>
    %logistic3A_309 = arith.addf %logistic3A_308, %logistic3A_306 : vector<128x256xf32>
    %logistic3A_310 = arith.divf %logistic3A_308, %logistic3A_309 : vector<128x256xf32>
    %slice3A_311 = vector.extract_strided_slice %add3A_303 {offsets = [0, 256], sizes = [128, 256], strides = [1, 1]} : vector<128x1024xf32> to vector<128x256xf32>
    %logistic3A_312 = arith.negf %slice3A_311 : vector<128x256xf32>
    %logistic3A_313 = math.exp %logistic3A_312 : vector<128x256xf32>
    %logistic3A_314 = arith.constant 1.000000e+00 : f32
    %logistic3A_315 = vector.broadcast %logistic3A_314 : f32 to vector<128x256xf32>
    %logistic3A_316 = arith.addf %logistic3A_315, %logistic3A_313 : vector<128x256xf32>
    %logistic3A_317 = arith.divf %logistic3A_315, %logistic3A_316 : vector<128x256xf32>
    %slice3A_318 = vector.extract_strided_slice %add3A_303 {offsets = [0, 512], sizes = [128, 256], strides = [1, 1]} : vector<128x1024xf32> to vector<128x256xf32>
    %tanh3A_319 = math.tanh %slice3A_318 : vector<128x256xf32>
    %slice3A_320 = vector.extract_strided_slice %add3A_303 {offsets = [0, 768], sizes = [128, 256], strides = [1, 1]} : vector<128x1024xf32> to vector<128x256xf32>
    %logistic3A_321 = arith.negf %slice3A_320 : vector<128x256xf32>
    %logistic3A_322 = math.exp %logistic3A_321 : vector<128x256xf32>
    %logistic3A_323 = arith.constant 1.000000e+00 : f32
    %logistic3A_324 = vector.broadcast %logistic3A_323 : f32 to vector<128x256xf32>
    %logistic3A_325 = arith.addf %logistic3A_324, %logistic3A_322 : vector<128x256xf32>
    %logistic3A_326 = arith.divf %logistic3A_324, %logistic3A_325 : vector<128x256xf32>
    %get3A_327 = arith.constant 0 : index
    %get3A_328 = arith.constant 0 : index
    %get3A_329 = vector.load %arg16[%get3A_327, %get3A_328] : memref<128x256xf32, #tpu.memory_space<vmem>>, vector<128x256xf32>
    %mul3A_330 = arith.mulf %logistic3A_317, %get3A_329 : vector<128x256xf32>
    %mul3A_331 = arith.mulf %logistic3A_310, %tanh3A_319 : vector<128x256xf32>
    %add3A_332 = arith.addf %mul3A_330, %mul3A_331 : vector<128x256xf32>
    %tanh3A_333 = math.tanh %add3A_332 : vector<128x256xf32>
    %mul3A_334 = arith.mulf %logistic3A_326, %tanh3A_333 : vector<128x256xf32>
    %swap3A_335 = arith.constant 0 : index
    %swap3A_336 = arith.constant 0 : index
    %swap3A_337 = vector.load %arg16[%swap3A_335, %swap3A_336] : memref<128x256xf32, #tpu.memory_space<vmem>>, vector<128x256xf32>
    tpu.vector_store %arg16[%swap3A_335, %swap3A_336], %add3A_332 {strides = array<i32>} : memref<128x256xf32, #tpu.memory_space<vmem>>, vector<128x256xf32>,
    %swap3A_338 = arith.constant 0 : index
    %swap3A_339 = arith.constant 0 : index
    %swap3A_340 = vector.load %arg15[%swap3A_338, %swap3A_339] : memref<128x256xf32, #tpu.memory_space<vmem>>, vector<128x256xf32>
    tpu.vector_store %arg15[%swap3A_338, %swap3A_339], %mul3A_334 {strides = array<i32>} : memref<128x256xf32, #tpu.memory_space<vmem>>, vector<128x256xf32>,
    %convert_element_type3A_341 = arith.truncf %mul3A_334 : vector<128x256xf32> to vector<128x256xbf16>
    %swap3A_342 = arith.constant 2 : index
    %swap3A_343 = arith.constant 0 : index
    %swap3A_344 = arith.constant 0 : index
    %swap3A_345 = vector.load %arg10[%swap3A_342, %swap3A_343, %swap3A_344] : memref<10x128x256xbf16, #tpu.memory_space<vmem>>, vector<1x128x256xbf16>
    %swap3A_346 = vector.shape_cast %swap3A_345 : vector<1x128x256xbf16> to vector<128x256xbf16>
    %swap3A_347 = vector.shape_cast %convert_element_type3A_341 : vector<128x256xbf16> to vector<1x128x256xbf16>
    tpu.vector_store %arg10[%swap3A_342, %swap3A_343, %swap3A_344], %swap3A_347 {strides = array<i32>} : memref<10x128x256xbf16, #tpu.memory_space<vmem>>, vector<1x128x256xbf16>,
    %slice3A_348 = vector.extract_strided_slice %add3A_13 {offsets = [384, 0], sizes = [128, 1024], strides = [1, 1]} : vector<1280x1024xf32> to vector<128x1024xf32>
    %get3A_349 = arith.constant 0 : index
    %get3A_350 = arith.constant 0 : index
    %get3A_351 = vector.load %arg13[%get3A_349, %get3A_350] : memref<128x256xf32, #tpu.memory_space<vmem>>, vector<128x256xf32>
    %convert_element_type3A_352 = arith.truncf %get3A_351 : vector<128x256xf32> to vector<128x256xbf16>
    %get3A_353 = arith.constant 0 : index
    %get3A_354 = arith.constant 0 : index
    %get3A_355 = vector.load %arg5[%get3A_353, %get3A_354] : memref<1024x256xbf16, #tpu.memory_space<vmem>>, vector<1024x256xbf16>
    %dot_general3A_356 = arith.constant dense<0.000000e+00> : vector<128x1024xf32>
    %dot_general3A_357 = tpu.matmul %convert_element_type3A_352, %get3A_355, %dot_general3A_356 {dimension_numbers = #tpu.dot_dimension_numbers<[1], [1], [0], [0], [0, 0, 1, 0], [], []>, transpose_lhs_hint = false} : vector<128x256xbf16>, vector<1024x256xbf16>, vector<128x1024xf32> -> vector<128x1024xf32>
    %add3A_358 = arith.addf %slice3A_348, %dot_general3A_357 : vector<128x1024xf32>
    %slice3A_359 = vector.extract_strided_slice %add3A_358 {offsets = [0, 0], sizes = [128, 256], strides = [1, 1]} : vector<128x1024xf32> to vector<128x256xf32>
    %logistic3A_360 = arith.negf %slice3A_359 : vector<128x256xf32>
    %logistic3A_361 = math.exp %logistic3A_360 : vector<128x256xf32>
    %logistic3A_362 = arith.constant 1.000000e+00 : f32
    %logistic3A_363 = vector.broadcast %logistic3A_362 : f32 to vector<128x256xf32>
    %logistic3A_364 = arith.addf %logistic3A_363, %logistic3A_361 : vector<128x256xf32>
    %logistic3A_365 = arith.divf %logistic3A_363, %logistic3A_364 : vector<128x256xf32>
    %slice3A_366 = vector.extract_strided_slice %add3A_358 {offsets = [0, 256], sizes = [128, 256], strides = [1, 1]} : vector<128x1024xf32> to vector<128x256xf32>
    %logistic3A_367 = arith.negf %slice3A_366 : vector<128x256xf32>
    %logistic3A_368 = math.exp %logistic3A_367 : vector<128x256xf32>
    %logistic3A_369 = arith.constant 1.000000e+00 : f32
    %logistic3A_370 = vector.broadcast %logistic3A_369 : f32 to vector<128x256xf32>
    %logistic3A_371 = arith.addf %logistic3A_370, %logistic3A_368 : vector<128x256xf32>
    %logistic3A_372 = arith.divf %logistic3A_370, %logistic3A_371 : vector<128x256xf32>
    %slice3A_373 = vector.extract_strided_slice %add3A_358 {offsets = [0, 512], sizes = [128, 256], strides = [1, 1]} : vector<128x1024xf32> to vector<128x256xf32>
    %tanh3A_374 = math.tanh %slice3A_373 : vector<128x256xf32>
    %slice3A_375 = vector.extract_strided_slice %add3A_358 {offsets = [0, 768], sizes = [128, 256], strides = [1, 1]} : vector<128x1024xf32> to vector<128x256xf32>
    %logistic3A_376 = arith.negf %slice3A_375 : vector<128x256xf32>
    %logistic3A_377 = math.exp %logistic3A_376 : vector<128x256xf32>
    %logistic3A_378 = arith.constant 1.000000e+00 : f32
    %logistic3A_379 = vector.broadcast %logistic3A_378 : f32 to vector<128x256xf32>
    %logistic3A_380 = arith.addf %logistic3A_379, %logistic3A_377 : vector<128x256xf32>
    %logistic3A_381 = arith.divf %logistic3A_379, %logistic3A_380 : vector<128x256xf32>
    %get3A_382 = arith.constant 0 : index
    %get3A_383 = arith.constant 0 : index
    %get3A_384 = vector.load %arg14[%get3A_382, %get3A_383] : memref<128x256xf32, #tpu.memory_space<vmem>>, vector<128x256xf32>
    %mul3A_385 = arith.mulf %logistic3A_372, %get3A_384 : vector<128x256xf32>
    %mul3A_386 = arith.mulf %logistic3A_365, %tanh3A_374 : vector<128x256xf32>
    %add3A_387 = arith.addf %mul3A_385, %mul3A_386 : vector<128x256xf32>
    %tanh3A_388 = math.tanh %add3A_387 : vector<128x256xf32>
    %mul3A_389 = arith.mulf %logistic3A_381, %tanh3A_388 : vector<128x256xf32>
    %swap3A_390 = arith.constant 0 : index
    %swap3A_391 = arith.constant 0 : index
    %swap3A_392 = vector.load %arg14[%swap3A_390, %swap3A_391] : memref<128x256xf32, #tpu.memory_space<vmem>>, vector<128x256xf32>
    tpu.vector_store %arg14[%swap3A_390, %swap3A_391], %add3A_387 {strides = array<i32>} : memref<128x256xf32, #tpu.memory_space<vmem>>, vector<128x256xf32>,
    %swap3A_393 = arith.constant 0 : index
    %swap3A_394 = arith.constant 0 : index
    %swap3A_395 = vector.load %arg13[%swap3A_393, %swap3A_394] : memref<128x256xf32, #tpu.memory_space<vmem>>, vector<128x256xf32>
    tpu.vector_store %arg13[%swap3A_393, %swap3A_394], %mul3A_389 {strides = array<i32>} : memref<128x256xf32, #tpu.memory_space<vmem>>, vector<128x256xf32>,
    %convert_element_type3A_396 = arith.truncf %mul3A_389 : vector<128x256xf32> to vector<128x256xbf16>
    %get3A_397 = arith.constant 0 : index
    %get3A_398 = arith.constant 0 : index
    %get3A_399 = vector.load %arg7[%get3A_397, %get3A_398] : memref<1024x256xbf16, #tpu.memory_space<vmem>>, vector<1024x256xbf16>
    %dot_general3A_400 = arith.constant dense<0.000000e+00> : vector<128x1024xf32>
    %dot_general3A_401 = tpu.matmul %convert_element_type3A_396, %get3A_399, %dot_general3A_400 {dimension_numbers = #tpu.dot_dimension_numbers<[1], [1], [0], [0], [0, 0, 1, 0], [], []>, transpose_lhs_hint = false} : vector<128x256xbf16>, vector<1024x256xbf16>, vector<128x1024xf32> -> vector<128x1024xf32>
    %get3A_402 = arith.constant 0 : index
    %get3A_403 = arith.constant 0 : index
    %get3A_404 = vector.load %arg15[%get3A_402, %get3A_403] : memref<128x256xf32, #tpu.memory_space<vmem>>, vector<128x256xf32>
    %convert_element_type3A_405 = arith.truncf %get3A_404 : vector<128x256xf32> to vector<128x256xbf16>
    %get3A_406 = arith.constant 0 : index
    %get3A_407 = arith.constant 0 : index
    %get3A_408 = vector.load %arg8[%get3A_406, %get3A_407] : memref<1024x256xbf16, #tpu.memory_space<vmem>>, vector<1024x256xbf16>
    %dot_general3A_409 = arith.constant dense<0.000000e+00> : vector<128x1024xf32>
    %dot_general3A_410 = tpu.matmul %convert_element_type3A_405, %get3A_408, %dot_general3A_409 {dimension_numbers = #tpu.dot_dimension_numbers<[1], [1], [0], [0], [0, 0, 1, 0], [], []>, transpose_lhs_hint = false} : vector<128x256xbf16>, vector<1024x256xbf16>, vector<128x1024xf32> -> vector<128x1024xf32>
    %add3A_411 = arith.addf %dot_general3A_401, %dot_general3A_410 : vector<128x1024xf32>
    %get3A_412 = arith.constant 0 : index
    %get3A_413 = arith.constant 0 : index
    %get3A_414 = vector.load %arg9[%get3A_412, %get3A_413] : memref<1x1024xf32, #tpu.memory_space<vmem>>, vector<1x1024xf32>
    %add3A_415 = vector.broadcast %get3A_414 : vector<1x1024xf32> to vector<128x1024xf32>
    %add3A_416 = arith.addf %add3A_411, %add3A_415 : vector<128x1024xf32>
    %slice3A_417 = vector.extract_strided_slice %add3A_416 {offsets = [0, 0], sizes = [128, 256], strides = [1, 1]} : vector<128x1024xf32> to vector<128x256xf32>
    %logistic3A_418 = arith.negf %slice3A_417 : vector<128x256xf32>
    %logistic3A_419 = math.exp %logistic3A_418 : vector<128x256xf32>
    %logistic3A_420 = arith.constant 1.000000e+00 : f32
    %logistic3A_421 = vector.broadcast %logistic3A_420 : f32 to vector<128x256xf32>
    %logistic3A_422 = arith.addf %logistic3A_421, %logistic3A_419 : vector<128x256xf32>
    %logistic3A_423 = arith.divf %logistic3A_421, %logistic3A_422 : vector<128x256xf32>
    %slice3A_424 = vector.extract_strided_slice %add3A_416 {offsets = [0, 256], sizes = [128, 256], strides = [1, 1]} : vector<128x1024xf32> to vector<128x256xf32>
    %logistic3A_425 = arith.negf %slice3A_424 : vector<128x256xf32>
    %logistic3A_426 = math.exp %logistic3A_425 : vector<128x256xf32>
    %logistic3A_427 = arith.constant 1.000000e+00 : f32
    %logistic3A_428 = vector.broadcast %logistic3A_427 : f32 to vector<128x256xf32>
    %logistic3A_429 = arith.addf %logistic3A_428, %logistic3A_426 : vector<128x256xf32>
    %logistic3A_430 = arith.divf %logistic3A_428, %logistic3A_429 : vector<128x256xf32>
    %slice3A_431 = vector.extract_strided_slice %add3A_416 {offsets = [0, 512], sizes = [128, 256], strides = [1, 1]} : vector<128x1024xf32> to vector<128x256xf32>
    %tanh3A_432 = math.tanh %slice3A_431 : vector<128x256xf32>
    %slice3A_433 = vector.extract_strided_slice %add3A_416 {offsets = [0, 768], sizes = [128, 256], strides = [1, 1]} : vector<128x1024xf32> to vector<128x256xf32>
    %logistic3A_434 = arith.negf %slice3A_433 : vector<128x256xf32>
    %logistic3A_435 = math.exp %logistic3A_434 : vector<128x256xf32>
    %logistic3A_436 = arith.constant 1.000000e+00 : f32
    %logistic3A_437 = vector.broadcast %logistic3A_436 : f32 to vector<128x256xf32>
    %logistic3A_438 = arith.addf %logistic3A_437, %logistic3A_435 : vector<128x256xf32>
    %logistic3A_439 = arith.divf %logistic3A_437, %logistic3A_438 : vector<128x256xf32>
    %get3A_440 = arith.constant 0 : index
    %get3A_441 = arith.constant 0 : index
    %get3A_442 = vector.load %arg16[%get3A_440, %get3A_441] : memref<128x256xf32, #tpu.memory_space<vmem>>, vector<128x256xf32>
    %mul3A_443 = arith.mulf %logistic3A_430, %get3A_442 : vector<128x256xf32>
    %mul3A_444 = arith.mulf %logistic3A_423, %tanh3A_432 : vector<128x256xf32>
    %add3A_445 = arith.addf %mul3A_443, %mul3A_444 : vector<128x256xf32>
    %tanh3A_446 = math.tanh %add3A_445 : vector<128x256xf32>
    %mul3A_447 = arith.mulf %logistic3A_439, %tanh3A_446 : vector<128x256xf32>
    %swap3A_448 = arith.constant 0 : index
    %swap3A_449 = arith.constant 0 : index
    %swap3A_450 = vector.load %arg16[%swap3A_448, %swap3A_449] : memref<128x256xf32, #tpu.memory_space<vmem>>, vector<128x256xf32>
    tpu.vector_store %arg16[%swap3A_448, %swap3A_449], %add3A_445 {strides = array<i32>} : memref<128x256xf32, #tpu.memory_space<vmem>>, vector<128x256xf32>,
    %swap3A_451 = arith.constant 0 : index
    %swap3A_452 = arith.constant 0 : index
    %swap3A_453 = vector.load %arg15[%swap3A_451, %swap3A_452] : memref<128x256xf32, #tpu.memory_space<vmem>>, vector<128x256xf32>
    tpu.vector_store %arg15[%swap3A_451, %swap3A_452], %mul3A_447 {strides = array<i32>} : memref<128x256xf32, #tpu.memory_space<vmem>>, vector<128x256xf32>,
    %convert_element_type3A_454 = arith.truncf %mul3A_447 : vector<128x256xf32> to vector<128x256xbf16>
    %swap3A_455 = arith.constant 3 : index
    %swap3A_456 = arith.constant 0 : index
    %swap3A_457 = arith.constant 0 : index
    %swap3A_458 = vector.load %arg10[%swap3A_455, %swap3A_456, %swap3A_457] : memref<10x128x256xbf16, #tpu.memory_space<vmem>>, vector<1x128x256xbf16>
    %swap3A_459 = vector.shape_cast %swap3A_458 : vector<1x128x256xbf16> to vector<128x256xbf16>
    %swap3A_460 = vector.shape_cast %convert_element_type3A_454 : vector<128x256xbf16> to vector<1x128x256xbf16>
    tpu.vector_store %arg10[%swap3A_455, %swap3A_456, %swap3A_457], %swap3A_460 {strides = array<i32>} : memref<10x128x256xbf16, #tpu.memory_space<vmem>>, vector<1x128x256xbf16>,
    %slice3A_461 = vector.extract_strided_slice %add3A_13 {offsets = [512, 0], sizes = [128, 1024], strides = [1, 1]} : vector<1280x1024xf32> to vector<128x1024xf32>
    %get3A_462 = arith.constant 0 : index
    %get3A_463 = arith.constant 0 : index
    %get3A_464 = vector.load %arg13[%get3A_462, %get3A_463] : memref<128x256xf32, #tpu.memory_space<vmem>>, vector<128x256xf32>
    %convert_element_type3A_465 = arith.truncf %get3A_464 : vector<128x256xf32> to vector<128x256xbf16>
    %get3A_466 = arith.constant 0 : index
    %get3A_467 = arith.constant 0 : index
    %get3A_468 = vector.load %arg5[%get3A_466, %get3A_467] : memref<1024x256xbf16, #tpu.memory_space<vmem>>, vector<1024x256xbf16>
    %dot_general3A_469 = arith.constant dense<0.000000e+00> : vector<128x1024xf32>
    %dot_general3A_470 = tpu.matmul %convert_element_type3A_465, %get3A_468, %dot_general3A_469 {dimension_numbers = #tpu.dot_dimension_numbers<[1], [1], [0], [0], [0, 0, 1, 0], [], []>, transpose_lhs_hint = false} : vector<128x256xbf16>, vector<1024x256xbf16>, vector<128x1024xf32> -> vector<128x1024xf32>
    %add3A_471 = arith.addf %slice3A_461, %dot_general3A_470 : vector<128x1024xf32>
    %slice3A_472 = vector.extract_strided_slice %add3A_471 {offsets = [0, 0], sizes = [128, 256], strides = [1, 1]} : vector<128x1024xf32> to vector<128x256xf32>
    %logistic3A_473 = arith.negf %slice3A_472 : vector<128x256xf32>
    %logistic3A_474 = math.exp %logistic3A_473 : vector<128x256xf32>
    %logistic3A_475 = arith.constant 1.000000e+00 : f32
    %logistic3A_476 = vector.broadcast %logistic3A_475 : f32 to vector<128x256xf32>
    %logistic3A_477 = arith.addf %logistic3A_476, %logistic3A_474 : vector<128x256xf32>
    %logistic3A_478 = arith.divf %logistic3A_476, %logistic3A_477 : vector<128x256xf32>
    %slice3A_479 = vector.extract_strided_slice %add3A_471 {offsets = [0, 256], sizes = [128, 256], strides = [1, 1]} : vector<128x1024xf32> to vector<128x256xf32>
    %logistic3A_480 = arith.negf %slice3A_479 : vector<128x256xf32>
    %logistic3A_481 = math.exp %logistic3A_480 : vector<128x256xf32>
    %logistic3A_482 = arith.constant 1.000000e+00 : f32
    %logistic3A_483 = vector.broadcast %logistic3A_482 : f32 to vector<128x256xf32>
    %logistic3A_484 = arith.addf %logistic3A_483, %logistic3A_481 : vector<128x256xf32>
    %logistic3A_485 = arith.divf %logistic3A_483, %logistic3A_484 : vector<128x256xf32>
    %slice3A_486 = vector.extract_strided_slice %add3A_471 {offsets = [0, 512], sizes = [128, 256], strides = [1, 1]} : vector<128x1024xf32> to vector<128x256xf32>
    %tanh3A_487 = math.tanh %slice3A_486 : vector<128x256xf32>
    %slice3A_488 = vector.extract_strided_slice %add3A_471 {offsets = [0, 768], sizes = [128, 256], strides = [1, 1]} : vector<128x1024xf32> to vector<128x256xf32>
    %logistic3A_489 = arith.negf %slice3A_488 : vector<128x256xf32>
    %logistic3A_490 = math.exp %logistic3A_489 : vector<128x256xf32>
    %logistic3A_491 = arith.constant 1.000000e+00 : f32
    %logistic3A_492 = vector.broadcast %logistic3A_491 : f32 to vector<128x256xf32>
    %logistic3A_493 = arith.addf %logistic3A_492, %logistic3A_490 : vector<128x256xf32>
    %logistic3A_494 = arith.divf %logistic3A_492, %logistic3A_493 : vector<128x256xf32>
    %get3A_495 = arith.constant 0 : index
    %get3A_496 = arith.constant 0 : index
    %get3A_497 = vector.load %arg14[%get3A_495, %get3A_496] : memref<128x256xf32, #tpu.memory_space<vmem>>, vector<128x256xf32>
    %mul3A_498 = arith.mulf %logistic3A_485, %get3A_497 : vector<128x256xf32>
    %mul3A_499 = arith.mulf %logistic3A_478, %tanh3A_487 : vector<128x256xf32>
    %add3A_500 = arith.addf %mul3A_498, %mul3A_499 : vector<128x256xf32>
    %tanh3A_501 = math.tanh %add3A_500 : vector<128x256xf32>
    %mul3A_502 = arith.mulf %logistic3A_494, %tanh3A_501 : vector<128x256xf32>
    %swap3A_503 = arith.constant 0 : index
    %swap3A_504 = arith.constant 0 : index
    %swap3A_505 = vector.load %arg14[%swap3A_503, %swap3A_504] : memref<128x256xf32, #tpu.memory_space<vmem>>, vector<128x256xf32>
    tpu.vector_store %arg14[%swap3A_503, %swap3A_504], %add3A_500 {strides = array<i32>} : memref<128x256xf32, #tpu.memory_space<vmem>>, vector<128x256xf32>,
    %swap3A_506 = arith.constant 0 : index
    %swap3A_507 = arith.constant 0 : index
    %swap3A_508 = vector.load %arg13[%swap3A_506, %swap3A_507] : memref<128x256xf32, #tpu.memory_space<vmem>>, vector<128x256xf32>
    tpu.vector_store %arg13[%swap3A_506, %swap3A_507], %mul3A_502 {strides = array<i32>} : memref<128x256xf32, #tpu.memory_space<vmem>>, vector<128x256xf32>,
    %convert_element_type3A_509 = arith.truncf %mul3A_502 : vector<128x256xf32> to vector<128x256xbf16>
    %get3A_510 = arith.constant 0 : index
    %get3A_511 = arith.constant 0 : index
    %get3A_512 = vector.load %arg7[%get3A_510, %get3A_511] : memref<1024x256xbf16, #tpu.memory_space<vmem>>, vector<1024x256xbf16>
    %dot_general3A_513 = arith.constant dense<0.000000e+00> : vector<128x1024xf32>
    %dot_general3A_514 = tpu.matmul %convert_element_type3A_509, %get3A_512, %dot_general3A_513 {dimension_numbers = #tpu.dot_dimension_numbers<[1], [1], [0], [0], [0, 0, 1, 0], [], []>, transpose_lhs_hint = false} : vector<128x256xbf16>, vector<1024x256xbf16>, vector<128x1024xf32> -> vector<128x1024xf32>
    %get3A_515 = arith.constant 0 : index
    %get3A_516 = arith.constant 0 : index
    %get3A_517 = vector.load %arg15[%get3A_515, %get3A_516] : memref<128x256xf32, #tpu.memory_space<vmem>>, vector<128x256xf32>
    %convert_element_type3A_518 = arith.truncf %get3A_517 : vector<128x256xf32> to vector<128x256xbf16>
    %get3A_519 = arith.constant 0 : index
    %get3A_520 = arith.constant 0 : index
    %get3A_521 = vector.load %arg8[%get3A_519, %get3A_520] : memref<1024x256xbf16, #tpu.memory_space<vmem>>, vector<1024x256xbf16>
    %dot_general3A_522 = arith.constant dense<0.000000e+00> : vector<128x1024xf32>
    %dot_general3A_523 = tpu.matmul %convert_element_type3A_518, %get3A_521, %dot_general3A_522 {dimension_numbers = #tpu.dot_dimension_numbers<[1], [1], [0], [0], [0, 0, 1, 0], [], []>, transpose_lhs_hint = false} : vector<128x256xbf16>, vector<1024x256xbf16>, vector<128x1024xf32> -> vector<128x1024xf32>
    %add3A_524 = arith.addf %dot_general3A_514, %dot_general3A_523 : vector<128x1024xf32>
    %get3A_525 = arith.constant 0 : index
    %get3A_526 = arith.constant 0 : index
    %get3A_527 = vector.load %arg9[%get3A_525, %get3A_526] : memref<1x1024xf32, #tpu.memory_space<vmem>>, vector<1x1024xf32>
    %add3A_528 = vector.broadcast %get3A_527 : vector<1x1024xf32> to vector<128x1024xf32>
    %add3A_529 = arith.addf %add3A_524, %add3A_528 : vector<128x1024xf32>
    %slice3A_530 = vector.extract_strided_slice %add3A_529 {offsets = [0, 0], sizes = [128, 256], strides = [1, 1]} : vector<128x1024xf32> to vector<128x256xf32>
    %logistic3A_531 = arith.negf %slice3A_530 : vector<128x256xf32>
    %logistic3A_532 = math.exp %logistic3A_531 : vector<128x256xf32>
    %logistic3A_533 = arith.constant 1.000000e+00 : f32
    %logistic3A_534 = vector.broadcast %logistic3A_533 : f32 to vector<128x256xf32>
    %logistic3A_535 = arith.addf %logistic3A_534, %logistic3A_532 : vector<128x256xf32>
    %logistic3A_536 = arith.divf %logistic3A_534, %logistic3A_535 : vector<128x256xf32>
    %slice3A_537 = vector.extract_strided_slice %add3A_529 {offsets = [0, 256], sizes = [128, 256], strides = [1, 1]} : vector<128x1024xf32> to vector<128x256xf32>
    %logistic3A_538 = arith.negf %slice3A_537 : vector<128x256xf32>
    %logistic3A_539 = math.exp %logistic3A_538 : vector<128x256xf32>
    %logistic3A_540 = arith.constant 1.000000e+00 : f32
    %logistic3A_541 = vector.broadcast %logistic3A_540 : f32 to vector<128x256xf32>
    %logistic3A_542 = arith.addf %logistic3A_541, %logistic3A_539 : vector<128x256xf32>
    %logistic3A_543 = arith.divf %logistic3A_541, %logistic3A_542 : vector<128x256xf32>
    %slice3A_544 = vector.extract_strided_slice %add3A_529 {offsets = [0, 512], sizes = [128, 256], strides = [1, 1]} : vector<128x1024xf32> to vector<128x256xf32>
    %tanh3A_545 = math.tanh %slice3A_544 : vector<128x256xf32>
    %slice3A_546 = vector.extract_strided_slice %add3A_529 {offsets = [0, 768], sizes = [128, 256], strides = [1, 1]} : vector<128x1024xf32> to vector<128x256xf32>
    %logistic3A_547 = arith.negf %slice3A_546 : vector<128x256xf32>
    %logistic3A_548 = math.exp %logistic3A_547 : vector<128x256xf32>
    %logistic3A_549 = arith.constant 1.000000e+00 : f32
    %logistic3A_550 = vector.broadcast %logistic3A_549 : f32 to vector<128x256xf32>
    %logistic3A_551 = arith.addf %logistic3A_550, %logistic3A_548 : vector<128x256xf32>
    %logistic3A_552 = arith.divf %logistic3A_550, %logistic3A_551 : vector<128x256xf32>
    %get3A_553 = arith.constant 0 : index
    %get3A_554 = arith.constant 0 : index
    %get3A_555 = vector.load %arg16[%get3A_553, %get3A_554] : memref<128x256xf32, #tpu.memory_space<vmem>>, vector<128x256xf32>
    %mul3A_556 = arith.mulf %logistic3A_543, %get3A_555 : vector<128x256xf32>
    %mul3A_557 = arith.mulf %logistic3A_536, %tanh3A_545 : vector<128x256xf32>
    %add3A_558 = arith.addf %mul3A_556, %mul3A_557 : vector<128x256xf32>
    %tanh3A_559 = math.tanh %add3A_558 : vector<128x256xf32>
    %mul3A_560 = arith.mulf %logistic3A_552, %tanh3A_559 : vector<128x256xf32>
    %swap3A_561 = arith.constant 0 : index
    %swap3A_562 = arith.constant 0 : index
    %swap3A_563 = vector.load %arg16[%swap3A_561, %swap3A_562] : memref<128x256xf32, #tpu.memory_space<vmem>>, vector<128x256xf32>
    tpu.vector_store %arg16[%swap3A_561, %swap3A_562], %add3A_558 {strides = array<i32>} : memref<128x256xf32, #tpu.memory_space<vmem>>, vector<128x256xf32>,
    %swap3A_564 = arith.constant 0 : index
    %swap3A_565 = arith.constant 0 : index
    %swap3A_566 = vector.load %arg15[%swap3A_564, %swap3A_565] : memref<128x256xf32, #tpu.memory_space<vmem>>, vector<128x256xf32>
    tpu.vector_store %arg15[%swap3A_564, %swap3A_565], %mul3A_560 {strides = array<i32>} : memref<128x256xf32, #tpu.memory_space<vmem>>, vector<128x256xf32>,
    %convert_element_type3A_567 = arith.truncf %mul3A_560 : vector<128x256xf32> to vector<128x256xbf16>
    %swap3A_568 = arith.constant 4 : index
    %swap3A_569 = arith.constant 0 : index
    %swap3A_570 = arith.constant 0 : index
    %swap3A_571 = vector.load %arg10[%swap3A_568, %swap3A_569, %swap3A_570] : memref<10x128x256xbf16, #tpu.memory_space<vmem>>, vector<1x128x256xbf16>
    %swap3A_572 = vector.shape_cast %swap3A_571 : vector<1x128x256xbf16> to vector<128x256xbf16>
    %swap3A_573 = vector.shape_cast %convert_element_type3A_567 : vector<128x256xbf16> to vector<1x128x256xbf16>
    tpu.vector_store %arg10[%swap3A_568, %swap3A_569, %swap3A_570], %swap3A_573 {strides = array<i32>} : memref<10x128x256xbf16, #tpu.memory_space<vmem>>, vector<1x128x256xbf16>,
    %slice3A_574 = vector.extract_strided_slice %add3A_13 {offsets = [640, 0], sizes = [128, 1024], strides = [1, 1]} : vector<1280x1024xf32> to vector<128x1024xf32>
    %get3A_575 = arith.constant 0 : index
    %get3A_576 = arith.constant 0 : index
    %get3A_577 = vector.load %arg13[%get3A_575, %get3A_576] : memref<128x256xf32, #tpu.memory_space<vmem>>, vector<128x256xf32>
    %convert_element_type3A_578 = arith.truncf %get3A_577 : vector<128x256xf32> to vector<128x256xbf16>
    %get3A_579 = arith.constant 0 : index
    %get3A_580 = arith.constant 0 : index
    %get3A_581 = vector.load %arg5[%get3A_579, %get3A_580] : memref<1024x256xbf16, #tpu.memory_space<vmem>>, vector<1024x256xbf16>
    %dot_general3A_582 = arith.constant dense<0.000000e+00> : vector<128x1024xf32>
    %dot_general3A_583 = tpu.matmul %convert_element_type3A_578, %get3A_581, %dot_general3A_582 {dimension_numbers = #tpu.dot_dimension_numbers<[1], [1], [0], [0], [0, 0, 1, 0], [], []>, transpose_lhs_hint = false} : vector<128x256xbf16>, vector<1024x256xbf16>, vector<128x1024xf32> -> vector<128x1024xf32>
    %add3A_584 = arith.addf %slice3A_574, %dot_general3A_583 : vector<128x1024xf32>
    %slice3A_585 = vector.extract_strided_slice %add3A_584 {offsets = [0, 0], sizes = [128, 256], strides = [1, 1]} : vector<128x1024xf32> to vector<128x256xf32>
    %logistic3A_586 = arith.negf %slice3A_585 : vector<128x256xf32>
    %logistic3A_587 = math.exp %logistic3A_586 : vector<128x256xf32>
    %logistic3A_588 = arith.constant 1.000000e+00 : f32
    %logistic3A_589 = vector.broadcast %logistic3A_588 : f32 to vector<128x256xf32>
    %logistic3A_590 = arith.addf %logistic3A_589, %logistic3A_587 : vector<128x256xf32>
    %logistic3A_591 = arith.divf %logistic3A_589, %logistic3A_590 : vector<128x256xf32>
    %slice3A_592 = vector.extract_strided_slice %add3A_584 {offsets = [0, 256], sizes = [128, 256], strides = [1, 1]} : vector<128x1024xf32> to vector<128x256xf32>
    %logistic3A_593 = arith.negf %slice3A_592 : vector<128x256xf32>
    %logistic3A_594 = math.exp %logistic3A_593 : vector<128x256xf32>
    %logistic3A_595 = arith.constant 1.000000e+00 : f32
    %logistic3A_596 = vector.broadcast %logistic3A_595 : f32 to vector<128x256xf32>
    %logistic3A_597 = arith.addf %logistic3A_596, %logistic3A_594 : vector<128x256xf32>
    %logistic3A_598 = arith.divf %logistic3A_596, %logistic3A_597 : vector<128x256xf32>
    %slice3A_599 = vector.extract_strided_slice %add3A_584 {offsets = [0, 512], sizes = [128, 256], strides = [1, 1]} : vector<128x1024xf32> to vector<128x256xf32>
    %tanh3A_600 = math.tanh %slice3A_599 : vector<128x256xf32>
    %slice3A_601 = vector.extract_strided_slice %add3A_584 {offsets = [0, 768], sizes = [128, 256], strides = [1, 1]} : vector<128x1024xf32> to vector<128x256xf32>
    %logistic3A_602 = arith.negf %slice3A_601 : vector<128x256xf32>
    %logistic3A_603 = math.exp %logistic3A_602 : vector<128x256xf32>
    %logistic3A_604 = arith.constant 1.000000e+00 : f32
    %logistic3A_605 = vector.broadcast %logistic3A_604 : f32 to vector<128x256xf32>
    %logistic3A_606 = arith.addf %logistic3A_605, %logistic3A_603 : vector<128x256xf32>
    %logistic3A_607 = arith.divf %logistic3A_605, %logistic3A_606 : vector<128x256xf32>
    %get3A_608 = arith.constant 0 : index
    %get3A_609 = arith.constant 0 : index
    %get3A_610 = vector.load %arg14[%get3A_608, %get3A_609] : memref<128x256xf32, #tpu.memory_space<vmem>>, vector<128x256xf32>
    %mul3A_611 = arith.mulf %logistic3A_598, %get3A_610 : vector<128x256xf32>
    %mul3A_612 = arith.mulf %logistic3A_591, %tanh3A_600 : vector<128x256xf32>
    %add3A_613 = arith.addf %mul3A_611, %mul3A_612 : vector<128x256xf32>
    %tanh3A_614 = math.tanh %add3A_613 : vector<128x256xf32>
    %mul3A_615 = arith.mulf %logistic3A_607, %tanh3A_614 : vector<128x256xf32>
    %swap3A_616 = arith.constant 0 : index
    %swap3A_617 = arith.constant 0 : index
    %swap3A_618 = vector.load %arg14[%swap3A_616, %swap3A_617] : memref<128x256xf32, #tpu.memory_space<vmem>>, vector<128x256xf32>
    tpu.vector_store %arg14[%swap3A_616, %swap3A_617], %add3A_613 {strides = array<i32>} : memref<128x256xf32, #tpu.memory_space<vmem>>, vector<128x256xf32>,
    %swap3A_619 = arith.constant 0 : index
    %swap3A_620 = arith.constant 0 : index
    %swap3A_621 = vector.load %arg13[%swap3A_619, %swap3A_620] : memref<128x256xf32, #tpu.memory_space<vmem>>, vector<128x256xf32>
    tpu.vector_store %arg13[%swap3A_619, %swap3A_620], %mul3A_615 {strides = array<i32>} : memref<128x256xf32, #tpu.memory_space<vmem>>, vector<128x256xf32>,
    %convert_element_type3A_622 = arith.truncf %mul3A_615 : vector<128x256xf32> to vector<128x256xbf16>
    %get3A_623 = arith.constant 0 : index
    %get3A_624 = arith.constant 0 : index
    %get3A_625 = vector.load %arg7[%get3A_623, %get3A_624] : memref<1024x256xbf16, #tpu.memory_space<vmem>>, vector<1024x256xbf16>
    %dot_general3A_626 = arith.constant dense<0.000000e+00> : vector<128x1024xf32>
    %dot_general3A_627 = tpu.matmul %convert_element_type3A_622, %get3A_625, %dot_general3A_626 {dimension_numbers = #tpu.dot_dimension_numbers<[1], [1], [0], [0], [0, 0, 1, 0], [], []>, transpose_lhs_hint = false} : vector<128x256xbf16>, vector<1024x256xbf16>, vector<128x1024xf32> -> vector<128x1024xf32>
    %get3A_628 = arith.constant 0 : index
    %get3A_629 = arith.constant 0 : index
    %get3A_630 = vector.load %arg15[%get3A_628, %get3A_629] : memref<128x256xf32, #tpu.memory_space<vmem>>, vector<128x256xf32>
    %convert_element_type3A_631 = arith.truncf %get3A_630 : vector<128x256xf32> to vector<128x256xbf16>
    %get3A_632 = arith.constant 0 : index
    %get3A_633 = arith.constant 0 : index
    %get3A_634 = vector.load %arg8[%get3A_632, %get3A_633] : memref<1024x256xbf16, #tpu.memory_space<vmem>>, vector<1024x256xbf16>
    %dot_general3A_635 = arith.constant dense<0.000000e+00> : vector<128x1024xf32>
    %dot_general3A_636 = tpu.matmul %convert_element_type3A_631, %get3A_634, %dot_general3A_635 {dimension_numbers = #tpu.dot_dimension_numbers<[1], [1], [0], [0], [0, 0, 1, 0], [], []>, transpose_lhs_hint = false} : vector<128x256xbf16>, vector<1024x256xbf16>, vector<128x1024xf32> -> vector<128x1024xf32>
    %add3A_637 = arith.addf %dot_general3A_627, %dot_general3A_636 : vector<128x1024xf32>
    %get3A_638 = arith.constant 0 : index
    %get3A_639 = arith.constant 0 : index
    %get3A_640 = vector.load %arg9[%get3A_638, %get3A_639] : memref<1x1024xf32, #tpu.memory_space<vmem>>, vector<1x1024xf32>
    %add3A_641 = vector.broadcast %get3A_640 : vector<1x1024xf32> to vector<128x1024xf32>
    %add3A_642 = arith.addf %add3A_637, %add3A_641 : vector<128x1024xf32>
    %slice3A_643 = vector.extract_strided_slice %add3A_642 {offsets = [0, 0], sizes = [128, 256], strides = [1, 1]} : vector<128x1024xf32> to vector<128x256xf32>
    %logistic3A_644 = arith.negf %slice3A_643 : vector<128x256xf32>
    %logistic3A_645 = math.exp %logistic3A_644 : vector<128x256xf32>
    %logistic3A_646 = arith.constant 1.000000e+00 : f32
    %logistic3A_647 = vector.broadcast %logistic3A_646 : f32 to vector<128x256xf32>
    %logistic3A_648 = arith.addf %logistic3A_647, %logistic3A_645 : vector<128x256xf32>
    %logistic3A_649 = arith.divf %logistic3A_647, %logistic3A_648 : vector<128x256xf32>
    %slice3A_650 = vector.extract_strided_slice %add3A_642 {offsets = [0, 256], sizes = [128, 256], strides = [1, 1]} : vector<128x1024xf32> to vector<128x256xf32>
    %logistic3A_651 = arith.negf %slice3A_650 : vector<128x256xf32>
    %logistic3A_652 = math.exp %logistic3A_651 : vector<128x256xf32>
    %logistic3A_653 = arith.constant 1.000000e+00 : f32
    %logistic3A_654 = vector.broadcast %logistic3A_653 : f32 to vector<128x256xf32>
    %logistic3A_655 = arith.addf %logistic3A_654, %logistic3A_652 : vector<128x256xf32>
    %logistic3A_656 = arith.divf %logistic3A_654, %logistic3A_655 : vector<128x256xf32>
    %slice3A_657 = vector.extract_strided_slice %add3A_642 {offsets = [0, 512], sizes = [128, 256], strides = [1, 1]} : vector<128x1024xf32> to vector<128x256xf32>
    %tanh3A_658 = math.tanh %slice3A_657 : vector<128x256xf32>
    %slice3A_659 = vector.extract_strided_slice %add3A_642 {offsets = [0, 768], sizes = [128, 256], strides = [1, 1]} : vector<128x1024xf32> to vector<128x256xf32>
    %logistic3A_660 = arith.negf %slice3A_659 : vector<128x256xf32>
    %logistic3A_661 = math.exp %logistic3A_660 : vector<128x256xf32>
    %logistic3A_662 = arith.constant 1.000000e+00 : f32
    %logistic3A_663 = vector.broadcast %logistic3A_662 : f32 to vector<128x256xf32>
    %logistic3A_664 = arith.addf %logistic3A_663, %logistic3A_661 : vector<128x256xf32>
    %logistic3A_665 = arith.divf %logistic3A_663, %logistic3A_664 : vector<128x256xf32>
    %get3A_666 = arith.constant 0 : index
    %get3A_667 = arith.constant 0 : index
    %get3A_668 = vector.load %arg16[%get3A_666, %get3A_667] : memref<128x256xf32, #tpu.memory_space<vmem>>, vector<128x256xf32>
    %mul3A_669 = arith.mulf %logistic3A_656, %get3A_668 : vector<128x256xf32>
    %mul3A_670 = arith.mulf %logistic3A_649, %tanh3A_658 : vector<128x256xf32>
    %add3A_671 = arith.addf %mul3A_669, %mul3A_670 : vector<128x256xf32>
    %tanh3A_672 = math.tanh %add3A_671 : vector<128x256xf32>
    %mul3A_673 = arith.mulf %logistic3A_665, %tanh3A_672 : vector<128x256xf32>
    %swap3A_674 = arith.constant 0 : index
    %swap3A_675 = arith.constant 0 : index
    %swap3A_676 = vector.load %arg16[%swap3A_674, %swap3A_675] : memref<128x256xf32, #tpu.memory_space<vmem>>, vector<128x256xf32>
    tpu.vector_store %arg16[%swap3A_674, %swap3A_675], %add3A_671 {strides = array<i32>} : memref<128x256xf32, #tpu.memory_space<vmem>>, vector<128x256xf32>,
    %swap3A_677 = arith.constant 0 : index
    %swap3A_678 = arith.constant 0 : index
    %swap3A_679 = vector.load %arg15[%swap3A_677, %swap3A_678] : memref<128x256xf32, #tpu.memory_space<vmem>>, vector<128x256xf32>
    tpu.vector_store %arg15[%swap3A_677, %swap3A_678], %mul3A_673 {strides = array<i32>} : memref<128x256xf32, #tpu.memory_space<vmem>>, vector<128x256xf32>,
    %convert_element_type3A_680 = arith.truncf %mul3A_673 : vector<128x256xf32> to vector<128x256xbf16>
    %swap3A_681 = arith.constant 5 : index
    %swap3A_682 = arith.constant 0 : index
    %swap3A_683 = arith.constant 0 : index
    %swap3A_684 = vector.load %arg10[%swap3A_681, %swap3A_682, %swap3A_683] : memref<10x128x256xbf16, #tpu.memory_space<vmem>>, vector<1x128x256xbf16>
    %swap3A_685 = vector.shape_cast %swap3A_684 : vector<1x128x256xbf16> to vector<128x256xbf16>
    %swap3A_686 = vector.shape_cast %convert_element_type3A_680 : vector<128x256xbf16> to vector<1x128x256xbf16>
    tpu.vector_store %arg10[%swap3A_681, %swap3A_682, %swap3A_683], %swap3A_686 {strides = array<i32>} : memref<10x128x256xbf16, #tpu.memory_space<vmem>>, vector<1x128x256xbf16>,
    %slice3A_687 = vector.extract_strided_slice %add3A_13 {offsets = [768, 0], sizes = [128, 1024], strides = [1, 1]} : vector<1280x1024xf32> to vector<128x1024xf32>
    %get3A_688 = arith.constant 0 : index
    %get3A_689 = arith.constant 0 : index
    %get3A_690 = vector.load %arg13[%get3A_688, %get3A_689] : memref<128x256xf32, #tpu.memory_space<vmem>>, vector<128x256xf32>
    %convert_element_type3A_691 = arith.truncf %get3A_690 : vector<128x256xf32> to vector<128x256xbf16>
    %get3A_692 = arith.constant 0 : index
    %get3A_693 = arith.constant 0 : index
    %get3A_694 = vector.load %arg5[%get3A_692, %get3A_693] : memref<1024x256xbf16, #tpu.memory_space<vmem>>, vector<1024x256xbf16>
    %dot_general3A_695 = arith.constant dense<0.000000e+00> : vector<128x1024xf32>
    %dot_general3A_696 = tpu.matmul %convert_element_type3A_691, %get3A_694, %dot_general3A_695 {dimension_numbers = #tpu.dot_dimension_numbers<[1], [1], [0], [0], [0, 0, 1, 0], [], []>, transpose_lhs_hint = false} : vector<128x256xbf16>, vector<1024x256xbf16>, vector<128x1024xf32> -> vector<128x1024xf32>
    %add3A_697 = arith.addf %slice3A_687, %dot_general3A_696 : vector<128x1024xf32>
    %slice3A_698 = vector.extract_strided_slice %add3A_697 {offsets = [0, 0], sizes = [128, 256], strides = [1, 1]} : vector<128x1024xf32> to vector<128x256xf32>
    %logistic3A_699 = arith.negf %slice3A_698 : vector<128x256xf32>
    %logistic3A_700 = math.exp %logistic3A_699 : vector<128x256xf32>
    %logistic3A_701 = arith.constant 1.000000e+00 : f32
    %logistic3A_702 = vector.broadcast %logistic3A_701 : f32 to vector<128x256xf32>
    %logistic3A_703 = arith.addf %logistic3A_702, %logistic3A_700 : vector<128x256xf32>
    %logistic3A_704 = arith.divf %logistic3A_702, %logistic3A_703 : vector<128x256xf32>
    %slice3A_705 = vector.extract_strided_slice %add3A_697 {offsets = [0, 256], sizes = [128, 256], strides = [1, 1]} : vector<128x1024xf32> to vector<128x256xf32>
    %logistic3A_706 = arith.negf %slice3A_705 : vector<128x256xf32>
    %logistic3A_707 = math.exp %logistic3A_706 : vector<128x256xf32>
    %logistic3A_708 = arith.constant 1.000000e+00 : f32
    %logistic3A_709 = vector.broadcast %logistic3A_708 : f32 to vector<128x256xf32>
    %logistic3A_710 = arith.addf %logistic3A_709, %logistic3A_707 : vector<128x256xf32>
    %logistic3A_711 = arith.divf %logistic3A_709, %logistic3A_710 : vector<128x256xf32>
    %slice3A_712 = vector.extract_strided_slice %add3A_697 {offsets = [0, 512], sizes = [128, 256], strides = [1, 1]} : vector<128x1024xf32> to vector<128x256xf32>
    %tanh3A_713 = math.tanh %slice3A_712 : vector<128x256xf32>
    %slice3A_714 = vector.extract_strided_slice %add3A_697 {offsets = [0, 768], sizes = [128, 256], strides = [1, 1]} : vector<128x1024xf32> to vector<128x256xf32>
    %logistic3A_715 = arith.negf %slice3A_714 : vector<128x256xf32>
    %logistic3A_716 = math.exp %logistic3A_715 : vector<128x256xf32>
    %logistic3A_717 = arith.constant 1.000000e+00 : f32
    %logistic3A_718 = vector.broadcast %logistic3A_717 : f32 to vector<128x256xf32>
    %logistic3A_719 = arith.addf %logistic3A_718, %logistic3A_716 : vector<128x256xf32>
    %logistic3A_720 = arith.divf %logistic3A_718, %logistic3A_719 : vector<128x256xf32>
    %get3A_721 = arith.constant 0 : index
    %get3A_722 = arith.constant 0 : index
    %get3A_723 = vector.load %arg14[%get3A_721, %get3A_722] : memref<128x256xf32, #tpu.memory_space<vmem>>, vector<128x256xf32>
    %mul3A_724 = arith.mulf %logistic3A_711, %get3A_723 : vector<128x256xf32>
    %mul3A_725 = arith.mulf %logistic3A_704, %tanh3A_713 : vector<128x256xf32>
    %add3A_726 = arith.addf %mul3A_724, %mul3A_725 : vector<128x256xf32>
    %tanh3A_727 = math.tanh %add3A_726 : vector<128x256xf32>
    %mul3A_728 = arith.mulf %logistic3A_720, %tanh3A_727 : vector<128x256xf32>
    %swap3A_729 = arith.constant 0 : index
    %swap3A_730 = arith.constant 0 : index
    %swap3A_731 = vector.load %arg14[%swap3A_729, %swap3A_730] : memref<128x256xf32, #tpu.memory_space<vmem>>, vector<128x256xf32>
    tpu.vector_store %arg14[%swap3A_729, %swap3A_730], %add3A_726 {strides = array<i32>} : memref<128x256xf32, #tpu.memory_space<vmem>>, vector<128x256xf32>,
    %swap3A_732 = arith.constant 0 : index
    %swap3A_733 = arith.constant 0 : index
    %swap3A_734 = vector.load %arg13[%swap3A_732, %swap3A_733] : memref<128x256xf32, #tpu.memory_space<vmem>>, vector<128x256xf32>
    tpu.vector_store %arg13[%swap3A_732, %swap3A_733], %mul3A_728 {strides = array<i32>} : memref<128x256xf32, #tpu.memory_space<vmem>>, vector<128x256xf32>,
    %convert_element_type3A_735 = arith.truncf %mul3A_728 : vector<128x256xf32> to vector<128x256xbf16>
    %get3A_736 = arith.constant 0 : index
    %get3A_737 = arith.constant 0 : index
    %get3A_738 = vector.load %arg7[%get3A_736, %get3A_737] : memref<1024x256xbf16, #tpu.memory_space<vmem>>, vector<1024x256xbf16>
    %dot_general3A_739 = arith.constant dense<0.000000e+00> : vector<128x1024xf32>
    %dot_general3A_740 = tpu.matmul %convert_element_type3A_735, %get3A_738, %dot_general3A_739 {dimension_numbers = #tpu.dot_dimension_numbers<[1], [1], [0], [0], [0, 0, 1, 0], [], []>, transpose_lhs_hint = false} : vector<128x256xbf16>, vector<1024x256xbf16>, vector<128x1024xf32> -> vector<128x1024xf32>
    %get3A_741 = arith.constant 0 : index
    %get3A_742 = arith.constant 0 : index
    %get3A_743 = vector.load %arg15[%get3A_741, %get3A_742] : memref<128x256xf32, #tpu.memory_space<vmem>>, vector<128x256xf32>
    %convert_element_type3A_744 = arith.truncf %get3A_743 : vector<128x256xf32> to vector<128x256xbf16>
    %get3A_745 = arith.constant 0 : index
    %get3A_746 = arith.constant 0 : index
    %get3A_747 = vector.load %arg8[%get3A_745, %get3A_746] : memref<1024x256xbf16, #tpu.memory_space<vmem>>, vector<1024x256xbf16>
    %dot_general3A_748 = arith.constant dense<0.000000e+00> : vector<128x1024xf32>
    %dot_general3A_749 = tpu.matmul %convert_element_type3A_744, %get3A_747, %dot_general3A_748 {dimension_numbers = #tpu.dot_dimension_numbers<[1], [1], [0], [0], [0, 0, 1, 0], [], []>, transpose_lhs_hint = false} : vector<128x256xbf16>, vector<1024x256xbf16>, vector<128x1024xf32> -> vector<128x1024xf32>
    %add3A_750 = arith.addf %dot_general3A_740, %dot_general3A_749 : vector<128x1024xf32>
    %get3A_751 = arith.constant 0 : index
    %get3A_752 = arith.constant 0 : index
    %get3A_753 = vector.load %arg9[%get3A_751, %get3A_752] : memref<1x1024xf32, #tpu.memory_space<vmem>>, vector<1x1024xf32>
    %add3A_754 = vector.broadcast %get3A_753 : vector<1x1024xf32> to vector<128x1024xf32>
    %add3A_755 = arith.addf %add3A_750, %add3A_754 : vector<128x1024xf32>
    %slice3A_756 = vector.extract_strided_slice %add3A_755 {offsets = [0, 0], sizes = [128, 256], strides = [1, 1]} : vector<128x1024xf32> to vector<128x256xf32>
    %logistic3A_757 = arith.negf %slice3A_756 : vector<128x256xf32>
    %logistic3A_758 = math.exp %logistic3A_757 : vector<128x256xf32>
    %logistic3A_759 = arith.constant 1.000000e+00 : f32
    %logistic3A_760 = vector.broadcast %logistic3A_759 : f32 to vector<128x256xf32>
    %logistic3A_761 = arith.addf %logistic3A_760, %logistic3A_758 : vector<128x256xf32>
    %logistic3A_762 = arith.divf %logistic3A_760, %logistic3A_761 : vector<128x256xf32>
    %slice3A_763 = vector.extract_strided_slice %add3A_755 {offsets = [0, 256], sizes = [128, 256], strides = [1, 1]} : vector<128x1024xf32> to vector<128x256xf32>
    %logistic3A_764 = arith.negf %slice3A_763 : vector<128x256xf32>
    %logistic3A_765 = math.exp %logistic3A_764 : vector<128x256xf32>
    %logistic3A_766 = arith.constant 1.000000e+00 : f32
    %logistic3A_767 = vector.broadcast %logistic3A_766 : f32 to vector<128x256xf32>
    %logistic3A_768 = arith.addf %logistic3A_767, %logistic3A_765 : vector<128x256xf32>
    %logistic3A_769 = arith.divf %logistic3A_767, %logistic3A_768 : vector<128x256xf32>
    %slice3A_770 = vector.extract_strided_slice %add3A_755 {offsets = [0, 512], sizes = [128, 256], strides = [1, 1]} : vector<128x1024xf32> to vector<128x256xf32>
    %tanh3A_771 = math.tanh %slice3A_770 : vector<128x256xf32>
    %slice3A_772 = vector.extract_strided_slice %add3A_755 {offsets = [0, 768], sizes = [128, 256], strides = [1, 1]} : vector<128x1024xf32> to vector<128x256xf32>
    %logistic3A_773 = arith.negf %slice3A_772 : vector<128x256xf32>
    %logistic3A_774 = math.exp %logistic3A_773 : vector<128x256xf32>
    %logistic3A_775 = arith.constant 1.000000e+00 : f32
    %logistic3A_776 = vector.broadcast %logistic3A_775 : f32 to vector<128x256xf32>
    %logistic3A_777 = arith.addf %logistic3A_776, %logistic3A_774 : vector<128x256xf32>
    %logistic3A_778 = arith.divf %logistic3A_776, %logistic3A_777 : vector<128x256xf32>
    %get3A_779 = arith.constant 0 : index
    %get3A_780 = arith.constant 0 : index
    %get3A_781 = vector.load %arg16[%get3A_779, %get3A_780] : memref<128x256xf32, #tpu.memory_space<vmem>>, vector<128x256xf32>
    %mul3A_782 = arith.mulf %logistic3A_769, %get3A_781 : vector<128x256xf32>
    %mul3A_783 = arith.mulf %logistic3A_762, %tanh3A_771 : vector<128x256xf32>
    %add3A_784 = arith.addf %mul3A_782, %mul3A_783 : vector<128x256xf32>
    %tanh3A_785 = math.tanh %add3A_784 : vector<128x256xf32>
    %mul3A_786 = arith.mulf %logistic3A_778, %tanh3A_785 : vector<128x256xf32>
    %swap3A_787 = arith.constant 0 : index
    %swap3A_788 = arith.constant 0 : index
    %swap3A_789 = vector.load %arg16[%swap3A_787, %swap3A_788] : memref<128x256xf32, #tpu.memory_space<vmem>>, vector<128x256xf32>
    tpu.vector_store %arg16[%swap3A_787, %swap3A_788], %add3A_784 {strides = array<i32>} : memref<128x256xf32, #tpu.memory_space<vmem>>, vector<128x256xf32>,
    %swap3A_790 = arith.constant 0 : index
    %swap3A_791 = arith.constant 0 : index
    %swap3A_792 = vector.load %arg15[%swap3A_790, %swap3A_791] : memref<128x256xf32, #tpu.memory_space<vmem>>, vector<128x256xf32>
    tpu.vector_store %arg15[%swap3A_790, %swap3A_791], %mul3A_786 {strides = array<i32>} : memref<128x256xf32, #tpu.memory_space<vmem>>, vector<128x256xf32>,
    %convert_element_type3A_793 = arith.truncf %mul3A_786 : vector<128x256xf32> to vector<128x256xbf16>
    %swap3A_794 = arith.constant 6 : index
    %swap3A_795 = arith.constant 0 : index
    %swap3A_796 = arith.constant 0 : index
    %swap3A_797 = vector.load %arg10[%swap3A_794, %swap3A_795, %swap3A_796] : memref<10x128x256xbf16, #tpu.memory_space<vmem>>, vector<1x128x256xbf16>
    %swap3A_798 = vector.shape_cast %swap3A_797 : vector<1x128x256xbf16> to vector<128x256xbf16>
    %swap3A_799 = vector.shape_cast %convert_element_type3A_793 : vector<128x256xbf16> to vector<1x128x256xbf16>
    tpu.vector_store %arg10[%swap3A_794, %swap3A_795, %swap3A_796], %swap3A_799 {strides = array<i32>} : memref<10x128x256xbf16, #tpu.memory_space<vmem>>, vector<1x128x256xbf16>,
    %slice3A_800 = vector.extract_strided_slice %add3A_13 {offsets = [896, 0], sizes = [128, 1024], strides = [1, 1]} : vector<1280x1024xf32> to vector<128x1024xf32>
    %get3A_801 = arith.constant 0 : index
    %get3A_802 = arith.constant 0 : index
    %get3A_803 = vector.load %arg13[%get3A_801, %get3A_802] : memref<128x256xf32, #tpu.memory_space<vmem>>, vector<128x256xf32>
    %convert_element_type3A_804 = arith.truncf %get3A_803 : vector<128x256xf32> to vector<128x256xbf16>
    %get3A_805 = arith.constant 0 : index
    %get3A_806 = arith.constant 0 : index
    %get3A_807 = vector.load %arg5[%get3A_805, %get3A_806] : memref<1024x256xbf16, #tpu.memory_space<vmem>>, vector<1024x256xbf16>
    %dot_general3A_808 = arith.constant dense<0.000000e+00> : vector<128x1024xf32>
    %dot_general3A_809 = tpu.matmul %convert_element_type3A_804, %get3A_807, %dot_general3A_808 {dimension_numbers = #tpu.dot_dimension_numbers<[1], [1], [0], [0], [0, 0, 1, 0], [], []>, transpose_lhs_hint = false} : vector<128x256xbf16>, vector<1024x256xbf16>, vector<128x1024xf32> -> vector<128x1024xf32>
    %add3A_810 = arith.addf %slice3A_800, %dot_general3A_809 : vector<128x1024xf32>
    %slice3A_811 = vector.extract_strided_slice %add3A_810 {offsets = [0, 0], sizes = [128, 256], strides = [1, 1]} : vector<128x1024xf32> to vector<128x256xf32>
    %logistic3A_812 = arith.negf %slice3A_811 : vector<128x256xf32>
    %logistic3A_813 = math.exp %logistic3A_812 : vector<128x256xf32>
    %logistic3A_814 = arith.constant 1.000000e+00 : f32
    %logistic3A_815 = vector.broadcast %logistic3A_814 : f32 to vector<128x256xf32>
    %logistic3A_816 = arith.addf %logistic3A_815, %logistic3A_813 : vector<128x256xf32>
    %logistic3A_817 = arith.divf %logistic3A_815, %logistic3A_816 : vector<128x256xf32>
    %slice3A_818 = vector.extract_strided_slice %add3A_810 {offsets = [0, 256], sizes = [128, 256], strides = [1, 1]} : vector<128x1024xf32> to vector<128x256xf32>
    %logistic3A_819 = arith.negf %slice3A_818 : vector<128x256xf32>
    %logistic3A_820 = math.exp %logistic3A_819 : vector<128x256xf32>
    %logistic3A_821 = arith.constant 1.000000e+00 : f32
    %logistic3A_822 = vector.broadcast %logistic3A_821 : f32 to vector<128x256xf32>
    %logistic3A_823 = arith.addf %logistic3A_822, %logistic3A_820 : vector<128x256xf32>
    %logistic3A_824 = arith.divf %logistic3A_822, %logistic3A_823 : vector<128x256xf32>
    %slice3A_825 = vector.extract_strided_slice %add3A_810 {offsets = [0, 512], sizes = [128, 256], strides = [1, 1]} : vector<128x1024xf32> to vector<128x256xf32>
    %tanh3A_826 = math.tanh %slice3A_825 : vector<128x256xf32>
    %slice3A_827 = vector.extract_strided_slice %add3A_810 {offsets = [0, 768], sizes = [128, 256], strides = [1, 1]} : vector<128x1024xf32> to vector<128x256xf32>
    %logistic3A_828 = arith.negf %slice3A_827 : vector<128x256xf32>
    %logistic3A_829 = math.exp %logistic3A_828 : vector<128x256xf32>
    %logistic3A_830 = arith.constant 1.000000e+00 : f32
    %logistic3A_831 = vector.broadcast %logistic3A_830 : f32 to vector<128x256xf32>
    %logistic3A_832 = arith.addf %logistic3A_831, %logistic3A_829 : vector<128x256xf32>
    %logistic3A_833 = arith.divf %logistic3A_831, %logistic3A_832 : vector<128x256xf32>
    %get3A_834 = arith.constant 0 : index
    %get3A_835 = arith.constant 0 : index
    %get3A_836 = vector.load %arg14[%get3A_834, %get3A_835] : memref<128x256xf32, #tpu.memory_space<vmem>>, vector<128x256xf32>
    %mul3A_837 = arith.mulf %logistic3A_824, %get3A_836 : vector<128x256xf32>
    %mul3A_838 = arith.mulf %logistic3A_817, %tanh3A_826 : vector<128x256xf32>
    %add3A_839 = arith.addf %mul3A_837, %mul3A_838 : vector<128x256xf32>
    %tanh3A_840 = math.tanh %add3A_839 : vector<128x256xf32>
    %mul3A_841 = arith.mulf %logistic3A_833, %tanh3A_840 : vector<128x256xf32>
    %swap3A_842 = arith.constant 0 : index
    %swap3A_843 = arith.constant 0 : index
    %swap3A_844 = vector.load %arg14[%swap3A_842, %swap3A_843] : memref<128x256xf32, #tpu.memory_space<vmem>>, vector<128x256xf32>
    tpu.vector_store %arg14[%swap3A_842, %swap3A_843], %add3A_839 {strides = array<i32>} : memref<128x256xf32, #tpu.memory_space<vmem>>, vector<128x256xf32>,
    %swap3A_845 = arith.constant 0 : index
    %swap3A_846 = arith.constant 0 : index
    %swap3A_847 = vector.load %arg13[%swap3A_845, %swap3A_846] : memref<128x256xf32, #tpu.memory_space<vmem>>, vector<128x256xf32>
    tpu.vector_store %arg13[%swap3A_845, %swap3A_846], %mul3A_841 {strides = array<i32>} : memref<128x256xf32, #tpu.memory_space<vmem>>, vector<128x256xf32>,
    %convert_element_type3A_848 = arith.truncf %mul3A_841 : vector<128x256xf32> to vector<128x256xbf16>
    %get3A_849 = arith.constant 0 : index
    %get3A_850 = arith.constant 0 : index
    %get3A_851 = vector.load %arg7[%get3A_849, %get3A_850] : memref<1024x256xbf16, #tpu.memory_space<vmem>>, vector<1024x256xbf16>
    %dot_general3A_852 = arith.constant dense<0.000000e+00> : vector<128x1024xf32>
    %dot_general3A_853 = tpu.matmul %convert_element_type3A_848, %get3A_851, %dot_general3A_852 {dimension_numbers = #tpu.dot_dimension_numbers<[1], [1], [0], [0], [0, 0, 1, 0], [], []>, transpose_lhs_hint = false} : vector<128x256xbf16>, vector<1024x256xbf16>, vector<128x1024xf32> -> vector<128x1024xf32>
    %get3A_854 = arith.constant 0 : index
    %get3A_855 = arith.constant 0 : index
    %get3A_856 = vector.load %arg15[%get3A_854, %get3A_855] : memref<128x256xf32, #tpu.memory_space<vmem>>, vector<128x256xf32>
    %convert_element_type3A_857 = arith.truncf %get3A_856 : vector<128x256xf32> to vector<128x256xbf16>
    %get3A_858 = arith.constant 0 : index
    %get3A_859 = arith.constant 0 : index
    %get3A_860 = vector.load %arg8[%get3A_858, %get3A_859] : memref<1024x256xbf16, #tpu.memory_space<vmem>>, vector<1024x256xbf16>
    %dot_general3A_861 = arith.constant dense<0.000000e+00> : vector<128x1024xf32>
    %dot_general3A_862 = tpu.matmul %convert_element_type3A_857, %get3A_860, %dot_general3A_861 {dimension_numbers = #tpu.dot_dimension_numbers<[1], [1], [0], [0], [0, 0, 1, 0], [], []>, transpose_lhs_hint = false} : vector<128x256xbf16>, vector<1024x256xbf16>, vector<128x1024xf32> -> vector<128x1024xf32>
    %add3A_863 = arith.addf %dot_general3A_853, %dot_general3A_862 : vector<128x1024xf32>
    %get3A_864 = arith.constant 0 : index
    %get3A_865 = arith.constant 0 : index
    %get3A_866 = vector.load %arg9[%get3A_864, %get3A_865] : memref<1x1024xf32, #tpu.memory_space<vmem>>, vector<1x1024xf32>
    %add3A_867 = vector.broadcast %get3A_866 : vector<1x1024xf32> to vector<128x1024xf32>
    %add3A_868 = arith.addf %add3A_863, %add3A_867 : vector<128x1024xf32>
    %slice3A_869 = vector.extract_strided_slice %add3A_868 {offsets = [0, 0], sizes = [128, 256], strides = [1, 1]} : vector<128x1024xf32> to vector<128x256xf32>
    %logistic3A_870 = arith.negf %slice3A_869 : vector<128x256xf32>
    %logistic3A_871 = math.exp %logistic3A_870 : vector<128x256xf32>
    %logistic3A_872 = arith.constant 1.000000e+00 : f32
    %logistic3A_873 = vector.broadcast %logistic3A_872 : f32 to vector<128x256xf32>
    %logistic3A_874 = arith.addf %logistic3A_873, %logistic3A_871 : vector<128x256xf32>
    %logistic3A_875 = arith.divf %logistic3A_873, %logistic3A_874 : vector<128x256xf32>
    %slice3A_876 = vector.extract_strided_slice %add3A_868 {offsets = [0, 256], sizes = [128, 256], strides = [1, 1]} : vector<128x1024xf32> to vector<128x256xf32>
    %logistic3A_877 = arith.negf %slice3A_876 : vector<128x256xf32>
    %logistic3A_878 = math.exp %logistic3A_877 : vector<128x256xf32>
    %logistic3A_879 = arith.constant 1.000000e+00 : f32
    %logistic3A_880 = vector.broadcast %logistic3A_879 : f32 to vector<128x256xf32>
    %logistic3A_881 = arith.addf %logistic3A_880, %logistic3A_878 : vector<128x256xf32>
    %logistic3A_882 = arith.divf %logistic3A_880, %logistic3A_881 : vector<128x256xf32>
    %slice3A_883 = vector.extract_strided_slice %add3A_868 {offsets = [0, 512], sizes = [128, 256], strides = [1, 1]} : vector<128x1024xf32> to vector<128x256xf32>
    %tanh3A_884 = math.tanh %slice3A_883 : vector<128x256xf32>
    %slice3A_885 = vector.extract_strided_slice %add3A_868 {offsets = [0, 768], sizes = [128, 256], strides = [1, 1]} : vector<128x1024xf32> to vector<128x256xf32>
    %logistic3A_886 = arith.negf %slice3A_885 : vector<128x256xf32>
    %logistic3A_887 = math.exp %logistic3A_886 : vector<128x256xf32>
    %logistic3A_888 = arith.constant 1.000000e+00 : f32
    %logistic3A_889 = vector.broadcast %logistic3A_888 : f32 to vector<128x256xf32>
    %logistic3A_890 = arith.addf %logistic3A_889, %logistic3A_887 : vector<128x256xf32>
    %logistic3A_891 = arith.divf %logistic3A_889, %logistic3A_890 : vector<128x256xf32>
    %get3A_892 = arith.constant 0 : index
    %get3A_893 = arith.constant 0 : index
    %get3A_894 = vector.load %arg16[%get3A_892, %get3A_893] : memref<128x256xf32, #tpu.memory_space<vmem>>, vector<128x256xf32>
    %mul3A_895 = arith.mulf %logistic3A_882, %get3A_894 : vector<128x256xf32>
    %mul3A_896 = arith.mulf %logistic3A_875, %tanh3A_884 : vector<128x256xf32>
    %add3A_897 = arith.addf %mul3A_895, %mul3A_896 : vector<128x256xf32>
    %tanh3A_898 = math.tanh %add3A_897 : vector<128x256xf32>
    %mul3A_899 = arith.mulf %logistic3A_891, %tanh3A_898 : vector<128x256xf32>
    %swap3A_900 = arith.constant 0 : index
    %swap3A_901 = arith.constant 0 : index
    %swap3A_902 = vector.load %arg16[%swap3A_900, %swap3A_901] : memref<128x256xf32, #tpu.memory_space<vmem>>, vector<128x256xf32>
    tpu.vector_store %arg16[%swap3A_900, %swap3A_901], %add3A_897 {strides = array<i32>} : memref<128x256xf32, #tpu.memory_space<vmem>>, vector<128x256xf32>,
    %swap3A_903 = arith.constant 0 : index
    %swap3A_904 = arith.constant 0 : index
    %swap3A_905 = vector.load %arg15[%swap3A_903, %swap3A_904] : memref<128x256xf32, #tpu.memory_space<vmem>>, vector<128x256xf32>
    tpu.vector_store %arg15[%swap3A_903, %swap3A_904], %mul3A_899 {strides = array<i32>} : memref<128x256xf32, #tpu.memory_space<vmem>>, vector<128x256xf32>,
    %convert_element_type3A_906 = arith.truncf %mul3A_899 : vector<128x256xf32> to vector<128x256xbf16>
    %swap3A_907 = arith.constant 7 : index
    %swap3A_908 = arith.constant 0 : index
    %swap3A_909 = arith.constant 0 : index
    %swap3A_910 = vector.load %arg10[%swap3A_907, %swap3A_908, %swap3A_909] : memref<10x128x256xbf16, #tpu.memory_space<vmem>>, vector<1x128x256xbf16>
    %swap3A_911 = vector.shape_cast %swap3A_910 : vector<1x128x256xbf16> to vector<128x256xbf16>
    %swap3A_912 = vector.shape_cast %convert_element_type3A_906 : vector<128x256xbf16> to vector<1x128x256xbf16>
    tpu.vector_store %arg10[%swap3A_907, %swap3A_908, %swap3A_909], %swap3A_912 {strides = array<i32>} : memref<10x128x256xbf16, #tpu.memory_space<vmem>>, vector<1x128x256xbf16>,
    %slice3A_913 = vector.extract_strided_slice %add3A_13 {offsets = [1024, 0], sizes = [128, 1024], strides = [1, 1]} : vector<1280x1024xf32> to vector<128x1024xf32>
    %get3A_914 = arith.constant 0 : index
    %get3A_915 = arith.constant 0 : index
    %get3A_916 = vector.load %arg13[%get3A_914, %get3A_915] : memref<128x256xf32, #tpu.memory_space<vmem>>, vector<128x256xf32>
    %convert_element_type3A_917 = arith.truncf %get3A_916 : vector<128x256xf32> to vector<128x256xbf16>
    %get3A_918 = arith.constant 0 : index
    %get3A_919 = arith.constant 0 : index
    %get3A_920 = vector.load %arg5[%get3A_918, %get3A_919] : memref<1024x256xbf16, #tpu.memory_space<vmem>>, vector<1024x256xbf16>
    %dot_general3A_921 = arith.constant dense<0.000000e+00> : vector<128x1024xf32>
    %dot_general3A_922 = tpu.matmul %convert_element_type3A_917, %get3A_920, %dot_general3A_921 {dimension_numbers = #tpu.dot_dimension_numbers<[1], [1], [0], [0], [0, 0, 1, 0], [], []>, transpose_lhs_hint = false} : vector<128x256xbf16>, vector<1024x256xbf16>, vector<128x1024xf32> -> vector<128x1024xf32>
    %add3A_923 = arith.addf %slice3A_913, %dot_general3A_922 : vector<128x1024xf32>
    %slice3A_924 = vector.extract_strided_slice %add3A_923 {offsets = [0, 0], sizes = [128, 256], strides = [1, 1]} : vector<128x1024xf32> to vector<128x256xf32>
    %logistic3A_925 = arith.negf %slice3A_924 : vector<128x256xf32>
    %logistic3A_926 = math.exp %logistic3A_925 : vector<128x256xf32>
    %logistic3A_927 = arith.constant 1.000000e+00 : f32
    %logistic3A_928 = vector.broadcast %logistic3A_927 : f32 to vector<128x256xf32>
    %logistic3A_929 = arith.addf %logistic3A_928, %logistic3A_926 : vector<128x256xf32>
    %logistic3A_930 = arith.divf %logistic3A_928, %logistic3A_929 : vector<128x256xf32>
    %slice3A_931 = vector.extract_strided_slice %add3A_923 {offsets = [0, 256], sizes = [128, 256], strides = [1, 1]} : vector<128x1024xf32> to vector<128x256xf32>
    %logistic3A_932 = arith.negf %slice3A_931 : vector<128x256xf32>
    %logistic3A_933 = math.exp %logistic3A_932 : vector<128x256xf32>
    %logistic3A_934 = arith.constant 1.000000e+00 : f32
    %logistic3A_935 = vector.broadcast %logistic3A_934 : f32 to vector<128x256xf32>
    %logistic3A_936 = arith.addf %logistic3A_935, %logistic3A_933 : vector<128x256xf32>
    %logistic3A_937 = arith.divf %logistic3A_935, %logistic3A_936 : vector<128x256xf32>
    %slice3A_938 = vector.extract_strided_slice %add3A_923 {offsets = [0, 512], sizes = [128, 256], strides = [1, 1]} : vector<128x1024xf32> to vector<128x256xf32>
    %tanh3A_939 = math.tanh %slice3A_938 : vector<128x256xf32>
    %slice3A_940 = vector.extract_strided_slice %add3A_923 {offsets = [0, 768], sizes = [128, 256], strides = [1, 1]} : vector<128x1024xf32> to vector<128x256xf32>
    %logistic3A_941 = arith.negf %slice3A_940 : vector<128x256xf32>
    %logistic3A_942 = math.exp %logistic3A_941 : vector<128x256xf32>
    %logistic3A_943 = arith.constant 1.000000e+00 : f32
    %logistic3A_944 = vector.broadcast %logistic3A_943 : f32 to vector<128x256xf32>
    %logistic3A_945 = arith.addf %logistic3A_944, %logistic3A_942 : vector<128x256xf32>
    %logistic3A_946 = arith.divf %logistic3A_944, %logistic3A_945 : vector<128x256xf32>
    %get3A_947 = arith.constant 0 : index
    %get3A_948 = arith.constant 0 : index
    %get3A_949 = vector.load %arg14[%get3A_947, %get3A_948] : memref<128x256xf32, #tpu.memory_space<vmem>>, vector<128x256xf32>
    %mul3A_950 = arith.mulf %logistic3A_937, %get3A_949 : vector<128x256xf32>
    %mul3A_951 = arith.mulf %logistic3A_930, %tanh3A_939 : vector<128x256xf32>
    %add3A_952 = arith.addf %mul3A_950, %mul3A_951 : vector<128x256xf32>
    %tanh3A_953 = math.tanh %add3A_952 : vector<128x256xf32>
    %mul3A_954 = arith.mulf %logistic3A_946, %tanh3A_953 : vector<128x256xf32>
    %swap3A_955 = arith.constant 0 : index
    %swap3A_956 = arith.constant 0 : index
    %swap3A_957 = vector.load %arg14[%swap3A_955, %swap3A_956] : memref<128x256xf32, #tpu.memory_space<vmem>>, vector<128x256xf32>
    tpu.vector_store %arg14[%swap3A_955, %swap3A_956], %add3A_952 {strides = array<i32>} : memref<128x256xf32, #tpu.memory_space<vmem>>, vector<128x256xf32>,
    %swap3A_958 = arith.constant 0 : index
    %swap3A_959 = arith.constant 0 : index
    %swap3A_960 = vector.load %arg13[%swap3A_958, %swap3A_959] : memref<128x256xf32, #tpu.memory_space<vmem>>, vector<128x256xf32>
    tpu.vector_store %arg13[%swap3A_958, %swap3A_959], %mul3A_954 {strides = array<i32>} : memref<128x256xf32, #tpu.memory_space<vmem>>, vector<128x256xf32>,
    %convert_element_type3A_961 = arith.truncf %mul3A_954 : vector<128x256xf32> to vector<128x256xbf16>
    %get3A_962 = arith.constant 0 : index
    %get3A_963 = arith.constant 0 : index
    %get3A_964 = vector.load %arg7[%get3A_962, %get3A_963] : memref<1024x256xbf16, #tpu.memory_space<vmem>>, vector<1024x256xbf16>
    %dot_general3A_965 = arith.constant dense<0.000000e+00> : vector<128x1024xf32>
    %dot_general3A_966 = tpu.matmul %convert_element_type3A_961, %get3A_964, %dot_general3A_965 {dimension_numbers = #tpu.dot_dimension_numbers<[1], [1], [0], [0], [0, 0, 1, 0], [], []>, transpose_lhs_hint = false} : vector<128x256xbf16>, vector<1024x256xbf16>, vector<128x1024xf32> -> vector<128x1024xf32>
    %get3A_967 = arith.constant 0 : index
    %get3A_968 = arith.constant 0 : index
    %get3A_969 = vector.load %arg15[%get3A_967, %get3A_968] : memref<128x256xf32, #tpu.memory_space<vmem>>, vector<128x256xf32>
    %convert_element_type3A_970 = arith.truncf %get3A_969 : vector<128x256xf32> to vector<128x256xbf16>
    %get3A_971 = arith.constant 0 : index
    %get3A_972 = arith.constant 0 : index
    %get3A_973 = vector.load %arg8[%get3A_971, %get3A_972] : memref<1024x256xbf16, #tpu.memory_space<vmem>>, vector<1024x256xbf16>
    %dot_general3A_974 = arith.constant dense<0.000000e+00> : vector<128x1024xf32>
    %dot_general3A_975 = tpu.matmul %convert_element_type3A_970, %get3A_973, %dot_general3A_974 {dimension_numbers = #tpu.dot_dimension_numbers<[1], [1], [0], [0], [0, 0, 1, 0], [], []>, transpose_lhs_hint = false} : vector<128x256xbf16>, vector<1024x256xbf16>, vector<128x1024xf32> -> vector<128x1024xf32>
    %add3A_976 = arith.addf %dot_general3A_966, %dot_general3A_975 : vector<128x1024xf32>
    %get3A_977 = arith.constant 0 : index
    %get3A_978 = arith.constant 0 : index
    %get3A_979 = vector.load %arg9[%get3A_977, %get3A_978] : memref<1x1024xf32, #tpu.memory_space<vmem>>, vector<1x1024xf32>
    %add3A_980 = vector.broadcast %get3A_979 : vector<1x1024xf32> to vector<128x1024xf32>
    %add3A_981 = arith.addf %add3A_976, %add3A_980 : vector<128x1024xf32>
    %slice3A_982 = vector.extract_strided_slice %add3A_981 {offsets = [0, 0], sizes = [128, 256], strides = [1, 1]} : vector<128x1024xf32> to vector<128x256xf32>
    %logistic3A_983 = arith.negf %slice3A_982 : vector<128x256xf32>
    %logistic3A_984 = math.exp %logistic3A_983 : vector<128x256xf32>
    %logistic3A_985 = arith.constant 1.000000e+00 : f32
    %logistic3A_986 = vector.broadcast %logistic3A_985 : f32 to vector<128x256xf32>
    %logistic3A_987 = arith.addf %logistic3A_986, %logistic3A_984 : vector<128x256xf32>
    %logistic3A_988 = arith.divf %logistic3A_986, %logistic3A_987 : vector<128x256xf32>
    %slice3A_989 = vector.extract_strided_slice %add3A_981 {offsets = [0, 256], sizes = [128, 256], strides = [1, 1]} : vector<128x1024xf32> to vector<128x256xf32>
    %logistic3A_990 = arith.negf %slice3A_989 : vector<128x256xf32>
    %logistic3A_991 = math.exp %logistic3A_990 : vector<128x256xf32>
    %logistic3A_992 = arith.constant 1.000000e+00 : f32
    %logistic3A_993 = vector.broadcast %logistic3A_992 : f32 to vector<128x256xf32>
    %logistic3A_994 = arith.addf %logistic3A_993, %logistic3A_991 : vector<128x256xf32>
    %logistic3A_995 = arith.divf %logistic3A_993, %logistic3A_994 : vector<128x256xf32>
    %slice3A_996 = vector.extract_strided_slice %add3A_981 {offsets = [0, 512], sizes = [128, 256], strides = [1, 1]} : vector<128x1024xf32> to vector<128x256xf32>
    %tanh3A_997 = math.tanh %slice3A_996 : vector<128x256xf32>
    %slice3A_998 = vector.extract_strided_slice %add3A_981 {offsets = [0, 768], sizes = [128, 256], strides = [1, 1]} : vector<128x1024xf32> to vector<128x256xf32>
    %logistic3A_999 = arith.negf %slice3A_998 : vector<128x256xf32>
    %logistic3A_1000 = math.exp %logistic3A_999 : vector<128x256xf32>
    %logistic3A_1001 = arith.constant 1.000000e+00 : f32
    %logistic3A_1002 = vector.broadcast %logistic3A_1001 : f32 to vector<128x256xf32>
    %logistic3A_1003 = arith.addf %logistic3A_1002, %logistic3A_1000 : vector<128x256xf32>
    %logistic3A_1004 = arith.divf %logistic3A_1002, %logistic3A_1003 : vector<128x256xf32>
    %get3A_1005 = arith.constant 0 : index
    %get3A_1006 = arith.constant 0 : index
    %get3A_1007 = vector.load %arg16[%get3A_1005, %get3A_1006] : memref<128x256xf32, #tpu.memory_space<vmem>>, vector<128x256xf32>
    %mul3A_1008 = arith.mulf %logistic3A_995, %get3A_1007 : vector<128x256xf32>
    %mul3A_1009 = arith.mulf %logistic3A_988, %tanh3A_997 : vector<128x256xf32>
    %add3A_1010 = arith.addf %mul3A_1008, %mul3A_1009 : vector<128x256xf32>
    %tanh3A_1011 = math.tanh %add3A_1010 : vector<128x256xf32>
    %mul3A_1012 = arith.mulf %logistic3A_1004, %tanh3A_1011 : vector<128x256xf32>
    %swap3A_1013 = arith.constant 0 : index
    %swap3A_1014 = arith.constant 0 : index
    %swap3A_1015 = vector.load %arg16[%swap3A_1013, %swap3A_1014] : memref<128x256xf32, #tpu.memory_space<vmem>>, vector<128x256xf32>
    tpu.vector_store %arg16[%swap3A_1013, %swap3A_1014], %add3A_1010 {strides = array<i32>} : memref<128x256xf32, #tpu.memory_space<vmem>>, vector<128x256xf32>,
    %swap3A_1016 = arith.constant 0 : index
    %swap3A_1017 = arith.constant 0 : index
    %swap3A_1018 = vector.load %arg15[%swap3A_1016, %swap3A_1017] : memref<128x256xf32, #tpu.memory_space<vmem>>, vector<128x256xf32>
    tpu.vector_store %arg15[%swap3A_1016, %swap3A_1017], %mul3A_1012 {strides = array<i32>} : memref<128x256xf32, #tpu.memory_space<vmem>>, vector<128x256xf32>,
    %convert_element_type3A_1019 = arith.truncf %mul3A_1012 : vector<128x256xf32> to vector<128x256xbf16>
    %swap3A_1020 = arith.constant 8 : index
    %swap3A_1021 = arith.constant 0 : index
    %swap3A_1022 = arith.constant 0 : index
    %swap3A_1023 = vector.load %arg10[%swap3A_1020, %swap3A_1021, %swap3A_1022] : memref<10x128x256xbf16, #tpu.memory_space<vmem>>, vector<1x128x256xbf16>
    %swap3A_1024 = vector.shape_cast %swap3A_1023 : vector<1x128x256xbf16> to vector<128x256xbf16>
    %swap3A_1025 = vector.shape_cast %convert_element_type3A_1019 : vector<128x256xbf16> to vector<1x128x256xbf16>
    tpu.vector_store %arg10[%swap3A_1020, %swap3A_1021, %swap3A_1022], %swap3A_1025 {strides = array<i32>} : memref<10x128x256xbf16, #tpu.memory_space<vmem>>, vector<1x128x256xbf16>,
    %slice3A_1026 = vector.extract_strided_slice %add3A_13 {offsets = [1152, 0], sizes = [128, 1024], strides = [1, 1]} : vector<1280x1024xf32> to vector<128x1024xf32>
    %get3A_1027 = arith.constant 0 : index
    %get3A_1028 = arith.constant 0 : index
    %get3A_1029 = vector.load %arg13[%get3A_1027, %get3A_1028] : memref<128x256xf32, #tpu.memory_space<vmem>>, vector<128x256xf32>
    %convert_element_type3A_1030 = arith.truncf %get3A_1029 : vector<128x256xf32> to vector<128x256xbf16>
    %get3A_1031 = arith.constant 0 : index
    %get3A_1032 = arith.constant 0 : index
    %get3A_1033 = vector.load %arg5[%get3A_1031, %get3A_1032] : memref<1024x256xbf16, #tpu.memory_space<vmem>>, vector<1024x256xbf16>
    %dot_general3A_1034 = arith.constant dense<0.000000e+00> : vector<128x1024xf32>
    %dot_general3A_1035 = tpu.matmul %convert_element_type3A_1030, %get3A_1033, %dot_general3A_1034 {dimension_numbers = #tpu.dot_dimension_numbers<[1], [1], [0], [0], [0, 0, 1, 0], [], []>, transpose_lhs_hint = false} : vector<128x256xbf16>, vector<1024x256xbf16>, vector<128x1024xf32> -> vector<128x1024xf32>
    %add3A_1036 = arith.addf %slice3A_1026, %dot_general3A_1035 : vector<128x1024xf32>
    %slice3A_1037 = vector.extract_strided_slice %add3A_1036 {offsets = [0, 0], sizes = [128, 256], strides = [1, 1]} : vector<128x1024xf32> to vector<128x256xf32>
    %logistic3A_1038 = arith.negf %slice3A_1037 : vector<128x256xf32>
    %logistic3A_1039 = math.exp %logistic3A_1038 : vector<128x256xf32>
    %logistic3A_1040 = arith.constant 1.000000e+00 : f32
    %logistic3A_1041 = vector.broadcast %logistic3A_1040 : f32 to vector<128x256xf32>
    %logistic3A_1042 = arith.addf %logistic3A_1041, %logistic3A_1039 : vector<128x256xf32>
    %logistic3A_1043 = arith.divf %logistic3A_1041, %logistic3A_1042 : vector<128x256xf32>
    %slice3A_1044 = vector.extract_strided_slice %add3A_1036 {offsets = [0, 256], sizes = [128, 256], strides = [1, 1]} : vector<128x1024xf32> to vector<128x256xf32>
    %logistic3A_1045 = arith.negf %slice3A_1044 : vector<128x256xf32>
    %logistic3A_1046 = math.exp %logistic3A_1045 : vector<128x256xf32>
    %logistic3A_1047 = arith.constant 1.000000e+00 : f32
    %logistic3A_1048 = vector.broadcast %logistic3A_1047 : f32 to vector<128x256xf32>
    %logistic3A_1049 = arith.addf %logistic3A_1048, %logistic3A_1046 : vector<128x256xf32>
    %logistic3A_1050 = arith.divf %logistic3A_1048, %logistic3A_1049 : vector<128x256xf32>
    %slice3A_1051 = vector.extract_strided_slice %add3A_1036 {offsets = [0, 512], sizes = [128, 256], strides = [1, 1]} : vector<128x1024xf32> to vector<128x256xf32>
    %tanh3A_1052 = math.tanh %slice3A_1051 : vector<128x256xf32>
    %slice3A_1053 = vector.extract_strided_slice %add3A_1036 {offsets = [0, 768], sizes = [128, 256], strides = [1, 1]} : vector<128x1024xf32> to vector<128x256xf32>
    %logistic3A_1054 = arith.negf %slice3A_1053 : vector<128x256xf32>
    %logistic3A_1055 = math.exp %logistic3A_1054 : vector<128x256xf32>
    %logistic3A_1056 = arith.constant 1.000000e+00 : f32
    %logistic3A_1057 = vector.broadcast %logistic3A_1056 : f32 to vector<128x256xf32>
    %logistic3A_1058 = arith.addf %logistic3A_1057, %logistic3A_1055 : vector<128x256xf32>
    %logistic3A_1059 = arith.divf %logistic3A_1057, %logistic3A_1058 : vector<128x256xf32>
    %get3A_1060 = arith.constant 0 : index
    %get3A_1061 = arith.constant 0 : index
    %get3A_1062 = vector.load %arg14[%get3A_1060, %get3A_1061] : memref<128x256xf32, #tpu.memory_space<vmem>>, vector<128x256xf32>
    %mul3A_1063 = arith.mulf %logistic3A_1050, %get3A_1062 : vector<128x256xf32>
    %mul3A_1064 = arith.mulf %logistic3A_1043, %tanh3A_1052 : vector<128x256xf32>
    %add3A_1065 = arith.addf %mul3A_1063, %mul3A_1064 : vector<128x256xf32>
    %tanh3A_1066 = math.tanh %add3A_1065 : vector<128x256xf32>
    %mul3A_1067 = arith.mulf %logistic3A_1059, %tanh3A_1066 : vector<128x256xf32>
    %swap3A_1068 = arith.constant 0 : index
    %swap3A_1069 = arith.constant 0 : index
    %swap3A_1070 = vector.load %arg14[%swap3A_1068, %swap3A_1069] : memref<128x256xf32, #tpu.memory_space<vmem>>, vector<128x256xf32>
    tpu.vector_store %arg14[%swap3A_1068, %swap3A_1069], %add3A_1065 {strides = array<i32>} : memref<128x256xf32, #tpu.memory_space<vmem>>, vector<128x256xf32>,
    %swap3A_1071 = arith.constant 0 : index
    %swap3A_1072 = arith.constant 0 : index
    %swap3A_1073 = vector.load %arg13[%swap3A_1071, %swap3A_1072] : memref<128x256xf32, #tpu.memory_space<vmem>>, vector<128x256xf32>
    tpu.vector_store %arg13[%swap3A_1071, %swap3A_1072], %mul3A_1067 {strides = array<i32>} : memref<128x256xf32, #tpu.memory_space<vmem>>, vector<128x256xf32>,
    %convert_element_type3A_1074 = arith.truncf %mul3A_1067 : vector<128x256xf32> to vector<128x256xbf16>
    %get3A_1075 = arith.constant 0 : index
    %get3A_1076 = arith.constant 0 : index
    %get3A_1077 = vector.load %arg7[%get3A_1075, %get3A_1076] : memref<1024x256xbf16, #tpu.memory_space<vmem>>, vector<1024x256xbf16>
    %dot_general3A_1078 = arith.constant dense<0.000000e+00> : vector<128x1024xf32>
    %dot_general3A_1079 = tpu.matmul %convert_element_type3A_1074, %get3A_1077, %dot_general3A_1078 {dimension_numbers = #tpu.dot_dimension_numbers<[1], [1], [0], [0], [0, 0, 1, 0], [], []>, transpose_lhs_hint = false} : vector<128x256xbf16>, vector<1024x256xbf16>, vector<128x1024xf32> -> vector<128x1024xf32>
    %get3A_1080 = arith.constant 0 : index
    %get3A_1081 = arith.constant 0 : index
    %get3A_1082 = vector.load %arg15[%get3A_1080, %get3A_1081] : memref<128x256xf32, #tpu.memory_space<vmem>>, vector<128x256xf32>
    %convert_element_type3A_1083 = arith.truncf %get3A_1082 : vector<128x256xf32> to vector<128x256xbf16>
    %get3A_1084 = arith.constant 0 : index
    %get3A_1085 = arith.constant 0 : index
    %get3A_1086 = vector.load %arg8[%get3A_1084, %get3A_1085] : memref<1024x256xbf16, #tpu.memory_space<vmem>>, vector<1024x256xbf16>
    %dot_general3A_1087 = arith.constant dense<0.000000e+00> : vector<128x1024xf32>
    %dot_general3A_1088 = tpu.matmul %convert_element_type3A_1083, %get3A_1086, %dot_general3A_1087 {dimension_numbers = #tpu.dot_dimension_numbers<[1], [1], [0], [0], [0, 0, 1, 0], [], []>, transpose_lhs_hint = false} : vector<128x256xbf16>, vector<1024x256xbf16>, vector<128x1024xf32> -> vector<128x1024xf32>
    %add3A_1089 = arith.addf %dot_general3A_1079, %dot_general3A_1088 : vector<128x1024xf32>
    %get3A_1090 = arith.constant 0 : index
    %get3A_1091 = arith.constant 0 : index
    %get3A_1092 = vector.load %arg9[%get3A_1090, %get3A_1091] : memref<1x1024xf32, #tpu.memory_space<vmem>>, vector<1x1024xf32>
    %add3A_1093 = vector.broadcast %get3A_1092 : vector<1x1024xf32> to vector<128x1024xf32>
    %add3A_1094 = arith.addf %add3A_1089, %add3A_1093 : vector<128x1024xf32>
    %slice3A_1095 = vector.extract_strided_slice %add3A_1094 {offsets = [0, 0], sizes = [128, 256], strides = [1, 1]} : vector<128x1024xf32> to vector<128x256xf32>
    %logistic3A_1096 = arith.negf %slice3A_1095 : vector<128x256xf32>
    %logistic3A_1097 = math.exp %logistic3A_1096 : vector<128x256xf32>
    %logistic3A_1098 = arith.constant 1.000000e+00 : f32
    %logistic3A_1099 = vector.broadcast %logistic3A_1098 : f32 to vector<128x256xf32>
    %logistic3A_1100 = arith.addf %logistic3A_1099, %logistic3A_1097 : vector<128x256xf32>
    %logistic3A_1101 = arith.divf %logistic3A_1099, %logistic3A_1100 : vector<128x256xf32>
    %slice3A_1102 = vector.extract_strided_slice %add3A_1094 {offsets = [0, 256], sizes = [128, 256], strides = [1, 1]} : vector<128x1024xf32> to vector<128x256xf32>
    %logistic3A_1103 = arith.negf %slice3A_1102 : vector<128x256xf32>
    %logistic3A_1104 = math.exp %logistic3A_1103 : vector<128x256xf32>
    %logistic3A_1105 = arith.constant 1.000000e+00 : f32
    %logistic3A_1106 = vector.broadcast %logistic3A_1105 : f32 to vector<128x256xf32>
    %logistic3A_1107 = arith.addf %logistic3A_1106, %logistic3A_1104 : vector<128x256xf32>
    %logistic3A_1108 = arith.divf %logistic3A_1106, %logistic3A_1107 : vector<128x256xf32>
    %slice3A_1109 = vector.extract_strided_slice %add3A_1094 {offsets = [0, 512], sizes = [128, 256], strides = [1, 1]} : vector<128x1024xf32> to vector<128x256xf32>
    %tanh3A_1110 = math.tanh %slice3A_1109 : vector<128x256xf32>
    %slice3A_1111 = vector.extract_strided_slice %add3A_1094 {offsets = [0, 768], sizes = [128, 256], strides = [1, 1]} : vector<128x1024xf32> to vector<128x256xf32>
    %logistic3A_1112 = arith.negf %slice3A_1111 : vector<128x256xf32>
    %logistic3A_1113 = math.exp %logistic3A_1112 : vector<128x256xf32>
    %logistic3A_1114 = arith.constant 1.000000e+00 : f32
    %logistic3A_1115 = vector.broadcast %logistic3A_1114 : f32 to vector<128x256xf32>
    %logistic3A_1116 = arith.addf %logistic3A_1115, %logistic3A_1113 : vector<128x256xf32>
    %logistic3A_1117 = arith.divf %logistic3A_1115, %logistic3A_1116 : vector<128x256xf32>
    %get3A_1118 = arith.constant 0 : index
    %get3A_1119 = arith.constant 0 : index
    %get3A_1120 = vector.load %arg16[%get3A_1118, %get3A_1119] : memref<128x256xf32, #tpu.memory_space<vmem>>, vector<128x256xf32>
    %mul3A_1121 = arith.mulf %logistic3A_1108, %get3A_1120 : vector<128x256xf32>
    %mul3A_1122 = arith.mulf %logistic3A_1101, %tanh3A_1110 : vector<128x256xf32>
    %add3A_1123 = arith.addf %mul3A_1121, %mul3A_1122 : vector<128x256xf32>
    %tanh3A_1124 = math.tanh %add3A_1123 : vector<128x256xf32>
    %mul3A_1125 = arith.mulf %logistic3A_1117, %tanh3A_1124 : vector<128x256xf32>
    %swap3A_1126 = arith.constant 0 : index
    %swap3A_1127 = arith.constant 0 : index
    %swap3A_1128 = vector.load %arg16[%swap3A_1126, %swap3A_1127] : memref<128x256xf32, #tpu.memory_space<vmem>>, vector<128x256xf32>
    tpu.vector_store %arg16[%swap3A_1126, %swap3A_1127], %add3A_1123 {strides = array<i32>} : memref<128x256xf32, #tpu.memory_space<vmem>>, vector<128x256xf32>,
    %swap3A_1129 = arith.constant 0 : index
    %swap3A_1130 = arith.constant 0 : index
    %swap3A_1131 = vector.load %arg15[%swap3A_1129, %swap3A_1130] : memref<128x256xf32, #tpu.memory_space<vmem>>, vector<128x256xf32>
    tpu.vector_store %arg15[%swap3A_1129, %swap3A_1130], %mul3A_1125 {strides = array<i32>} : memref<128x256xf32, #tpu.memory_space<vmem>>, vector<128x256xf32>,
    %convert_element_type3A_1132 = arith.truncf %mul3A_1125 : vector<128x256xf32> to vector<128x256xbf16>
    %swap3A_1133 = arith.constant 9 : index
    %swap3A_1134 = arith.constant 0 : index
    %swap3A_1135 = arith.constant 0 : index
    %swap3A_1136 = vector.load %arg10[%swap3A_1133, %swap3A_1134, %swap3A_1135] : memref<10x128x256xbf16, #tpu.memory_space<vmem>>, vector<1x128x256xbf16>
    %swap3A_1137 = vector.shape_cast %swap3A_1136 : vector<1x128x256xbf16> to vector<128x256xbf16>
    %swap3A_1138 = vector.shape_cast %convert_element_type3A_1132 : vector<128x256xbf16> to vector<1x128x256xbf16>
    tpu.vector_store %arg10[%swap3A_1133, %swap3A_1134, %swap3A_1135], %swap3A_1138 {strides = array<i32>} : memref<10x128x256xbf16, #tpu.memory_space<vmem>>, vector<1x128x256xbf16>,
    %eq3A_1139 = arith.constant 4 : i32
    %eq3A_1140 = arith.cmpi eq, %arg0, %eq3A_1139 : i32
    %convert_element_type3A_1141 = arith.extui %eq3A_1140 : i1 to i32
    %cond3A_1142 = arith.constant 0 : i32
    %cond3A_1143 = arith.cmpi ne, %convert_element_type3A_1141, %cond3A_1142 : i32
    scf.if %cond3A_1143 {
      %get3A_1144 = arith.constant 0 : index
      %get3A_1145 = arith.constant 0 : index
      %get3A_1146 = vector.load %arg13[%get3A_1144, %get3A_1145] : memref<128x256xf32, #tpu.memory_space<vmem>>, vector<128x256xf32>
      %swap3A_1147 = arith.constant 0 : index
      %swap3A_1148 = arith.constant 0 : index
      %swap3A_1149 = arith.constant 0 : index
      %swap3A_1150 = vector.load %arg11[%swap3A_1147, %swap3A_1148, %swap3A_1149] : memref<2x128x256xf32, #tpu.memory_space<vmem>>, vector<1x128x256xf32>
      %swap3A_1151 = vector.shape_cast %swap3A_1150 : vector<1x128x256xf32> to vector<128x256xf32>
      %swap3A_1152 = vector.shape_cast %get3A_1146 : vector<128x256xf32> to vector<1x128x256xf32>
      tpu.vector_store %arg11[%swap3A_1147, %swap3A_1148, %swap3A_1149], %swap3A_1152 {strides = array<i32>} : memref<2x128x256xf32, #tpu.memory_space<vmem>>, vector<1x128x256xf32>,
      %get3A_1153 = arith.constant 0 : index
      %get3A_1154 = arith.constant 0 : index
      %get3A_1155 = vector.load %arg15[%get3A_1153, %get3A_1154] : memref<128x256xf32, #tpu.memory_space<vmem>>, vector<128x256xf32>
      %swap3A_1156 = arith.constant 1 : index
      %swap3A_1157 = arith.constant 0 : index
      %swap3A_1158 = arith.constant 0 : index
      %swap3A_1159 = vector.load %arg11[%swap3A_1156, %swap3A_1157, %swap3A_1158] : memref<2x128x256xf32, #tpu.memory_space<vmem>>, vector<1x128x256xf32>
      %swap3A_1160 = vector.shape_cast %swap3A_1159 : vector<1x128x256xf32> to vector<128x256xf32>
      %swap3A_1161 = vector.shape_cast %get3A_1155 : vector<128x256xf32> to vector<1x128x256xf32>
      tpu.vector_store %arg11[%swap3A_1156, %swap3A_1157, %swap3A_1158], %swap3A_1161 {strides = array<i32>} : memref<2x128x256xf32, #tpu.memory_space<vmem>>, vector<1x128x256xf32>,
      %get3A_1162 = arith.constant 0 : index
      %get3A_1163 = arith.constant 0 : index
      %get3A_1164 = vector.load %arg14[%get3A_1162, %get3A_1163] : memref<128x256xf32, #tpu.memory_space<vmem>>, vector<128x256xf32>
      %swap3A_1165 = arith.constant 0 : index
      %swap3A_1166 = arith.constant 0 : index
      %swap3A_1167 = arith.constant 0 : index
      %swap3A_1168 = vector.load %arg12[%swap3A_1165, %swap3A_1166, %swap3A_1167] : memref<2x128x256xf32, #tpu.memory_space<vmem>>, vector<1x128x256xf32>
      %swap3A_1169 = vector.shape_cast %swap3A_1168 : vector<1x128x256xf32> to vector<128x256xf32>
      %swap3A_1170 = vector.shape_cast %get3A_1164 : vector<128x256xf32> to vector<1x128x256xf32>
      tpu.vector_store %arg12[%swap3A_1165, %swap3A_1166, %swap3A_1167], %swap3A_1170 {strides = array<i32>} : memref<2x128x256xf32, #tpu.memory_space<vmem>>, vector<1x128x256xf32>,
      %get3A_1171 = arith.constant 0 : index
      %get3A_1172 = arith.constant 0 : index
      %get3A_1173 = vector.load %arg16[%get3A_1171, %get3A_1172] : memref<128x256xf32, #tpu.memory_space<vmem>>, vector<128x256xf32>
      %swap3A_1174 = arith.constant 1 : index
      %swap3A_1175 = arith.constant 0 : index
      %swap3A_1176 = arith.constant 0 : index
      %swap3A_1177 = vector.load %arg12[%swap3A_1174, %swap3A_1175, %swap3A_1176] : memref<2x128x256xf32, #tpu.memory_space<vmem>>, vector<1x128x256xf32>
      %swap3A_1178 = vector.shape_cast %swap3A_1177 : vector<1x128x256xf32> to vector<128x256xf32>
      %swap3A_1179 = vector.shape_cast %get3A_1173 : vector<128x256xf32> to vector<1x128x256xf32>
      tpu.vector_store %arg12[%swap3A_1174, %swap3A_1175, %swap3A_1176], %swap3A_1179 {strides = array<i32>} : memref<2x128x256xf32, #tpu.memory_space<vmem>>, vector<1x128x256xf32>,
    } else {
    }
    return
  }
  func.func @transform_0(%arg0: i32) -> (i32, i32, i32) {
    %c0_i32 = arith.constant 0 : i32
    %c0_i32_0 = arith.constant 0 : i32
    %c0_i32_1 = arith.constant 0 : i32
    return %arg0, %c0_i32, %c0_i32_0 : i32, i32, i32
  }
  func.func @transform_1(%arg0: i32) -> (i32, i32, i32) {
    %c0_i32 = arith.constant 0 : i32
    %c0_i32_0 = arith.constant 0 : i32
    %c0_i32_1 = arith.constant 0 : i32
    %c0_i32_2 = arith.constant 0 : i32
    return %c0_i32, %c0_i32_0, %c0_i32_1 : i32, i32, i32
  }
  func.func @transform_2(%arg0: i32) -> (i32, i32, i32) {
    %c0_i32 = arith.constant 0 : i32
    %c0_i32_0 = arith.constant 0 : i32
    %c0_i32_1 = arith.constant 0 : i32
    %c0_i32_2 = arith.constant 0 : i32
    return %c0_i32, %c0_i32_0, %c0_i32_1 : i32, i32, i32
  }
  func.func @transform_3(%arg0: i32) -> (i32, i32) {
    %c0_i32 = arith.constant 0 : i32
    %c0_i32_0 = arith.constant 0 : i32
    %c0_i32_1 = arith.constant 0 : i32
    return %c0_i32, %c0_i32_0 : i32, i32
  }
  func.func @transform_4(%arg0: i32) -> (i32, i32) {
    %c0_i32 = arith.constant 0 : i32
    %c0_i32_0 = arith.constant 0 : i32
    %c0_i32_1 = arith.constant 0 : i32
    return %c0_i32, %c0_i32_0 : i32, i32
  }
  func.func @transform_5(%arg0: i32) -> (i32, i32) {
    %c0_i32 = arith.constant 0 : i32
    %c0_i32_0 = arith.constant 0 : i32
    %c0_i32_1 = arith.constant 0 : i32
    return %c0_i32, %c0_i32_0 : i32, i32
  }
  func.func @transform_6(%arg0: i32) -> (i32, i32) {
    %c0_i32 = arith.constant 0 : i32
    %c0_i32_0 = arith.constant 0 : i32
    %c0_i32_1 = arith.constant 0 : i32
    return %c0_i32, %c0_i32_0 : i32, i32
  }
  func.func @transform_7(%arg0: i32) -> (i32, i32) {
    %c0_i32 = arith.constant 0 : i32
    %c0_i32_0 = arith.constant 0 : i32
    %c0_i32_1 = arith.constant 0 : i32
    return %c0_i32, %c0_i32_0 : i32, i32
  }
  func.func @transform_8(%arg0: i32) -> (i32, i32) {
    %c0_i32 = arith.constant 0 : i32
    %c0_i32_0 = arith.constant 0 : i32
    %c0_i32_1 = arith.constant 0 : i32
    return %c0_i32, %c0_i32_0 : i32, i32
  }
  func.func @transform_9(%arg0: i32) -> (i32, i32, i32) {
    %c0_i32 = arith.constant 0 : i32
    %c0_i32_0 = arith.constant 0 : i32
    %c0_i32_1 = arith.constant 0 : i32
    return %arg0, %c0_i32, %c0_i32_0 : i32, i32, i32
  }
  func.func @transform_10(%arg0: i32) -> (i32, i32, i32) {
    %c0_i32 = arith.constant 0 : i32
    %c0_i32_0 = arith.constant 0 : i32
    %c0_i32_1 = arith.constant 0 : i32
    %c0_i32_2 = arith.constant 0 : i32
    return %c0_i32, %c0_i32_0, %c0_i32_1 : i32, i32, i32
  }
  func.func @transform_11(%arg0: i32) -> (i32, i32, i32) {
    %c0_i32 = arith.constant 0 : i32
    %c0_i32_0 = arith.constant 0 : i32
    %c0_i32_1 = arith.constant 0 : i32
    %c0_i32_2 = arith.constant 0 : i32
    return %c0_i32, %c0_i32_0, %c0_i32_1 : i32, i32, i32
  }
}

</mosaic_0001>

<sc_bundles>
// kernel: kernel.5.cloned.1.call-start
scs
__scs_entry_jumppad:
0x0: {  	(pc) =	sbr.rel $0x88, $3  }
0x1: {  	(tag) =	ssettag $0x0;
	lr =	simm.s32 $0x1  }
0x2: {  	[smem:$0x3F93] =	sst lr;
	_ =	strace $0xD0000000  }
0x3: {  	_ = 	snop  }
0x4: {  	_ = 	snop  }
0x5: {  	_ = 	snop  }
0x6: {  	_ = 	snop  }
0x7: {  	_ = 	snop  }
__scs_overlays_trampoline_lowered:
0x8: {  	[smem:$0x3FA2] =	sst s0  }
0x9: {  	[smem:$0x3FA3] =	sst s1  }
0xa: {  	[smem:$0x3FA4] =	sst s2  }
0xb: {  	[smem:$0x3FA5] =	sst s3  }
0xc: {  	[smem:$0x3FA6] =	sst s4  }
0xd: {  	[smem:$0x3FA7] =	sst s5  }
0xe: {  	[smem:$0x3FA8] =	sst s6  }
0xf: {  	[smem:$0x3FA9] =	sst s7  }
0x10: {  	[smem:$0x3FAA] =	sst s8  }
0x11: {  	[smem:$0x3FAB] =	sst s9;
	s0 =	simm.s32 @!p0 $0x0  }
0x12: {  	s1 =	sld [smem:$0x3F91];
	s0 =	simm.s32 @p0 $0x1  }
0x13: {  	[smem:$0x3FAC] =	sst s0;
	s0 =	simm.s32 @!p1 $0x0  }
0x14: {  	s2 =	sld [smem:$0x3F90];
	s0 =	simm.s32 @p1 $0x1  }
0x15: {  	[smem:$0x3FAD] =	sst s0;
	s0 =	simm.s32 @!p2 $0x0  }
0x16: {  	s3 =	sld [smem:$0x3FDB];
	s0 =	simm.s32 @p2 $0x1  }
0x17: {  	s4 =	simm.s32 $0x1BF5;
	[smem:$0x3FAF] =	sst s0  }
0x18: {  	s0 =	sld [smem:$0x3F92];
	_ =	swait.ge [sflag:s4], $0x0  }
0x19: {  	s7 =	sld [smem:$0x3F93]  }
0x1a: {  	s8 =	sadd.s32 $0xFFFFE003, lr  }
0x1b: {  	s9 =	sadd.s32 $0xFFFFFEF7, lr;
	s5 =	simm.s32 $0xFFFFFFFF;
	p2 =	slt.u32 s8, $0xFFFFF086  }
0x1c: {  	p1 =	slt.u32 s9, $0xF7A;
	s5 =	simm.s32 @!p2 $0x0  }
0x1d: {  	s5 =	simm.s32 @p1 $0x1;
	p0 =	seq.s32 s7, s2  }
0x1e: {  	s7 =	smul.u32 @!p0 $0xF7A, s2;
	p2 =	seq.s32 @!p0 s5, $0x0  }
0x1f: {  	s9 =	smul.u32 $0xF7A, s1;
	s8 =	simm.s32 @!p0 $0x1BF5;
	p2 =	por !p2, p0  }
0x20: {  	[sflag:s8] =	ssyncset.s32 @!p0 $0xFFFFF086;
	s6 =	sadd.s32 @!p0 s3, s7;
	s7 =	simm.s32 @!p0 $0x108  }
0x21: {  	s3 =	sadd.s32 s3, s9;
	s6 =	sadd.s32 @!p0 $0x88, s6;
	s7 =	simm.s32 @p2 $0x1082  }
0x22: {  	[simem:s7], [sflag:s8] =	dma.local @!p0 [hbm:s6], $0xF7A  }
0x23: {  	s9 =	sor.u32 $0xD0000000, s2;
	s6 =	simm.s32 $0x108;
	_ =	swait.ge @!p0 [sflag:s8], $0x0  }
0x24: {  	s3 =	sadd.s32 $0x88, s3;
	s6 =	simm.s32 @!p1 $0x1082;
	[sflag:s4] =	ssyncset.s32 $0xFFFFF086  }
0x25: {  	[simem:s6], [sflag:s4] =	dma.local [hbm:s3], $0xF7A  }
0x26: {  	[smem:$0x3F93] =	sst s1;
	(tag) =	ssettag s2;
	_ =	strace s9  }
0x27: {  	s1 =	sld [smem:$0x3FA3]  }
0x28: {  	s2 =	sld [smem:$0x3FA4]  }
0x29: {  	s4 =	sld [smem:$0x3FA6]  }
0x2a: {  	p0 =	seq.s32 s5, $0x0;
	s5 =	sld [smem:$0x3FA7]  }
0x2b: {  	s6 =	sld [smem:$0x3FA8]  }
0x2c: {  	s7 =	sld [smem:$0x3FA9]  }
0x2d: {  	s3 =	simm.s32 $0x108;
	s8 =	sld [smem:$0x3FAA]  }
0x2e: {  	s3 =	simm.s32 @!p0 $0x1082;
	s9 =	sld [smem:$0x3FAB]  }
0x2f: {  	lr =	sadd.s32 s0, s3;
	s0 =	sld [smem:$0x3FA2]  }
0x30: {  	s3 =	sld [smem:$0x3FA5]  }
0x31: {  	[smem:$0x3FAE] =	sst s10  }
0x32: {  	s10 =	sld [smem:$0x3FAC];
	_ =	sdelay $0x3  }
0x33: {  	p0 =	seq.s32 s10, $0x1;
	s10 =	sld [smem:$0x3FAE];
	_ =	sdelay $0x3  }
0x34: {  	[smem:$0x3FAE] =	sst s10  }
0x35: {  	s10 =	sld [smem:$0x3FAD];
	_ =	sdelay $0x3  }
0x36: {  	p1 =	seq.s32 s10, $0x1;
	s10 =	sld [smem:$0x3FAE];
	_ =	sdelay $0x3  }
0x37: {  	[smem:$0x3FAE] =	sst s10  }
0x38: {  	s10 =	sld [smem:$0x3FAF]  }
0x39: {  	_ = 	snop;
	(pc) =	sbr.ind lr, $3  }
0x3a: {  	_ = 	snop  }
0x3b: {  	_ = 	snop  }
0x3c: {  	p2 =	seq.s32 s10, $0x1;
	s10 =	sld [smem:$0x3FAE]  }
0x3d: {  	_ =	shalt  }
0x3e: {  	_ =	shalt  }
0x3f: {  	_ =	shalt  }
0x40: {  	_ =	shalt  }
0x41: {  	_ =	shalt  }
0x42: {  	_ =	shalt  }
0x43: {  	_ =	shalt  }
0x44: {  	_ =	shalt  }
0x45: {  	_ =	shalt  }
0x46: {  	_ =	shalt  }
0x47: {  	_ =	shalt  }
0x48: {  	_ =	shalt  }
0x49: {  	_ =	shalt  }
0x4a: {  	_ =	shalt  }
0x4b: {  	_ =	shalt  }
0x4c: {  	_ =	shalt  }
0x4d: {  	_ =	shalt  }
0x4e: {  	_ =	shalt  }
0x4f: {  	_ =	shalt  }
0x50: {  	_ =	shalt  }
0x51: {  	_ =	shalt  }
0x52: {  	_ =	shalt  }
0x53: {  	_ =	shalt  }
0x54: {  	_ =	shalt  }
0x55: {  	_ =	shalt  }
0x56: {  	_ =	shalt  }
0x57: {  	_ =	shalt  }
0x58: {  	_ =	shalt  }
0x59: {  	_ =	shalt  }
0x5a: {  	_ =	shalt  }
0x5b: {  	_ =	shalt  }
0x5c: {  	_ =	shalt  }
0x5d: {  	_ =	shalt  }
0x5e: {  	_ =	shalt  }
0x5f: {  	_ =	shalt  }
0x60: {  	_ =	shalt  }
0x61: {  	_ =	shalt  }
0x62: {  	_ =	shalt  }
0x63: {  	_ =	shalt  }
0x64: {  	_ =	shalt  }
0x65: {  	_ =	shalt  }
0x66: {  	_ =	shalt  }
0x67: {  	_ =	shalt  }
0x68: {  	_ =	shalt  }
0x69: {  	_ =	shalt  }
0x6a: {  	_ =	shalt  }
0x6b: {  	_ =	shalt  }
0x6c: {  	_ =	shalt  }
0x6d: {  	_ =	shalt  }
0x6e: {  	_ =	shalt  }
0x6f: {  	_ =	shalt  }
0x70: {  	_ =	shalt  }
0x71: {  	_ =	shalt  }
0x72: {  	_ =	shalt  }
0x73: {  	_ =	shalt  }
0x74: {  	_ =	shalt  }
0x75: {  	_ =	shalt  }
0x76: {  	_ =	shalt  }
0x77: {  	_ =	shalt  }
0x78: {  	_ =	shalt  }
0x79: {  	_ =	shalt  }
0x7a: {  	_ =	shalt  }
0x7b: {  	_ =	shalt  }
0x7c: {  	_ =	shalt  }
0x7d: {  	_ =	shalt  }
0x7e: {  	_ =	shalt  }
0x7f: {  	_ =	shalt  }
0x80: {  	_ =	shalt  }
0x81: {  	_ =	shalt  }
0x82: {  	_ =	shalt  }
0x83: {  	_ =	shalt  }
0x84: {  	_ =	shalt  }
0x85: {  	_ =	shalt  }
0x86: {  	_ =	shalt  }
0x87: {  	_ =	shalt  }
.Lfunc_end0:
.L_simem_size_0:
called_computation_lowered:
.L_overlay_start_0:
0x88: {  	s2 =	sld [smem:$0x3FD9]  }
0x89: {  	s3 =	sld [smem:$0x3FFE];
	_ =	sdelay $0x1  }
0x8a: {  	s1 =	srdreg.scid  }
0x8b: {  	s0 =	sand.u32 $0x1, s1  }
0x8c: {  	s15 =	sshll.u32 s0, $0xA;
	s2 =	sadd.s32 s3, s2  }
0x8d: {  	s2 =	sadd.s32 s2, s15  }
0x8e: {  	[smem:$0x3FBA] =	sst s2  }
0x8f: {  	_ = 	snop  }
0x90: {  	s2 =	sld [smem:$0x3FD0];
	_ =	sdelay $0x2  }
0x91: {  	s4 =	simm.s32 $0xA;
	s5 =	simm.s32 $0x10;
	s16 =	sld [smem:$0x3FC6]  }
0x92: {  	[smem:s5], [sflag:s4] =	dma.local [hbm:s2], $0x1  }
0x93: {  	_ =	swait.eq [sflag:s4], $0x1  }
0x94: {  	[sflag:s4] =	ssyncset.done $0x0  }
0x95: {  	s17 =	sld [smem:$0x10];
	[sflag:s4] =	ssyncadd.s32 $0xFFFFFFFF  }
0x96: {  	s18 =	sld [smem:$0x12];
	(tm) =	ssettm $0x1  }
0x97: {  	s19 =	sld [smem:$0x3FFB];
	_ =	sdelay $0x3  }
0x98: {  	_ =	strace s19  }
0x99: {  	s5 =	sld [smem:$0x3FFC];
	_ =	sdelay $0x3  }
0x9a: {  	_ =	strace s5  }
0x9b: {  	s5 =	sld [smem:$0x3FFD];
	_ =	sdelay $0x3  }
0x9c: {  	_ =	strace s5  }
0x9d: {  	_ =	strace $0x8FFFFFFF  }
0x9e: {  	s20 =	sld [smem:$0x3FDB];
	_ =	sdelay $0x1  }
0x9f: {  	s6 =	simm.s32 $_scs_section_size  }
0xa0: {  	s7 =	simm.s32 $_size__tile_overlayer_lowered;
	s8 =	simm.s32 $_tile_overlayer_lowered  }
0xa1: {  	s23 =	simm.s32 $0x1BFF;
	s22 =	sshll.u32 s8, $0x1;
	s5 =	sadd.s32 s6, s20  }
0xa2: {  	s9 =	simm.s32 $0x0;
	s21 =	sshll.u32 s7, $0x1;
	s7 =	sadd.s32 s22, s5  }
0xa3: {  	[timem:s9], [sflag:s23] =	dma.local [hbm:s7], s21  }
0xa4: {  	_ =	swait.ge [sflag:s23], s21  }
0xa5: {  	s6 =	ssub.s32 $0x0, s21;
	[sflag:s23] =	ssyncset.done $0x0  }
0xa6: {  	[sflag:s23] =	ssyncadd.s32 s6;
	_ =	sdelay $0x1  }
0xa7: {  	s24 =	simm.s32 $0x1B8B  }
0xa8: {  	_ =	swait.ge [sflag:s24], $0x1  }
0xa9: {  	[sflag:s24] =	ssyncset.done $0x0  }
0xaa: {  	s25 =	simm.s32 $0x1B8E;
	[sflag:s24] =	ssyncadd.s32 $0xFFFFFFFF  }
0xab: {  	s26 =	simm.s32 $execute0_lowered;
	[smem:$0x3FD2] =	sst s25  }
0xac: {  	s6 =	sshll.u32 s26, $0x1;
	_ =	strace $0x80000046;
	[dreg:$0x1] =	wrdreg $0xFFFFFFFF  }
0xad: {  	s28 =	simm.s32 $_size_execute0_lowered;
	s5 =	sadd.s32 s5, s6;
	[dreg:$0x0] =	wrdreg $0x0  }
0xae: {  	s6 =	sshll.u32 s28, $0x1;
	[dreg:$0x2] =	wrdreg s5  }
0xaf: {  	[dreg:$0x3] =	wrdreg s6  }
0xb0: {  	[dreg:$0x4] =	wrdreg $0xC0  }
0xb1: {  	_ =	task [dreg:s9], $0x5FFFF  }
0xb2: {  	[dreg:$0x1] =	wrdreg $0xFFFFFFFF  }
0xb3: {  	[dreg:$0x0] =	wrdreg $0x60  }
0xb4: {  	[dreg:$0x2] =	wrdreg s16  }
0xb5: {  	[dreg:$0x3] =	wrdreg s18  }
0xb6: {  	[dreg:$0x4] =	wrdreg s17  }
0xb7: {  	[dreg:$0x5] =	wrdreg $0x9  }
0xb8: {  	_ =	task.clear_ibuf [dreg:s9], $0x6FFFF;
	_ =	strace $0x90000046  }
0xb9: {  	s29 =	simm.s32 $0x9;
	_ =	strace $0x8000004F  }
0xba: {  	_ =	swait.ge [sflag:s29], $0x1  }
0xbb: {  	[sflag:s29] =	ssyncadd.s32 $0xFFFFFFFF  }
0xbc: {  	_ =	strace $0x9000004F  }
0xbd: {  	_ =	sfence  }
0xbe: {  	s30 =	sld [smem:$0x0];
	_ =	sdelay $0x2  }
0xbf: {  	s31 =	sshll.u32 s1, $0xD;
	s1 =	sshrl.u32 s1, $0x2  }
0xc0: {  	s3 =	sand.u32 $0x4000, s31;
	s1 =	sadd.s32 s1, s30  }
0xc1: {  	s0 =	sor.u32 s3, s0;
	s1 =	sshll.u32 s1, $0x11  }
0xc2: {  	s0 =	sor.u32 s1, s0  }
0xc3: {  	s0 =	sadd.s32 $0x8F2B, s0  }
0xc4: {  	[sflag:s0] =	ssyncadd.remote.s32 $0x1  }
0xc5: {  	_ =	sfence.sel $0xFFFF  }
0xc6: {  	[dreg:$0x0] =	wrdreg $0xFFFFFFFF;
	(pc) =	sbr.abs _section_cstart, $3  }
0xc7: {  	[dreg:$0x1] =	wrdreg $0xFFFFFFFF  }
0xc8: {  	_ =	task.clear_ibuf [dreg:s9], $0x2FFFF;
	_ =	strace $0x9FFFFFFF  }
0xc9: {  	(tm) =	ssettm $0x7FFFFFFF  }
tec
execute0_lowered:
.L_overlay_start_1:
0x0: {  	(tag) =	ssettag $0x1  }
0x1: {  	s1 =	rddreg [dreg:$0x0]  }
0x2: {  	s2 =	rddreg [dreg:$0x1]  }
0x3: {  	s3 =	rddreg [dreg:$0x2];
	s4 =	srdreg.scid  }
0x4: {  	s0 =	rddreg [dreg:$0x3];
	s5 =	simm.s32 $0x0;
	s11 =	simm.s32 $0x80  }
0x5: {  	s12 =	simm.s32 $0x5;
	s13 =	simm.s32 $0x0;
	s6 =	sand.u32 $0x1, s4  }
0x6: {  	[smem:$0x7FF] =	sst s5;
	s4 =	stileid.u32;
	s7 =	sshll.u32 s6, $0x4  }
0x7: {  	_ =	strace $0x80000047;
	s8 =	ssub.s32 $0x2, s6;
	s30 =	sor.u32 s4, s7  }
0x8: {  	p0 =	slt.u32 s30, $0x12;
	s9 =	sshll.u32 s30, $0x1;
	s6 =	sadd.s32 $0x12, s30  }
0x9: {  	s10 =	sshrl.u32 s8, $0x1;
	s7 =	simm.s32 $0x2;
	s6 =	smov.u32 @p0 s9  }
0xa: {  	s10 =	ssub.s32 s8, s10;
	s7 =	simm.s32 @!p0 $0x1;
	s31 =	sshll.u32 s6, $0x4  }
0xb: {  	s10 =	smax.u32 s10, $0x1;
	s9 =	sadd.s32 $0xFFFFFFFF, s7;
	s8 =	sadd.s32 s2, s31  }
.LBB2_1:
0xc: {  	_ =	strace $0x80000048;
	s20 =	simm.s32 $0x0  }
0xd: {  	s14 =	simm.s32 $0x0;
	s15 =	simm.s32 $0x0;
	s16 =	simm.s32 $0x0  }
0xe: {  	[tilespmem:s5], [sflag:$0x1] =	stream.linear.gather [hbm4b:s8+s5], $0x80, $0x200038;
	[tilespmem:$0x8100] =	vst v63  }
0xf: {  	s17 =	simm.s32 $0x1;
	s18 =	simm.s32 $0x0;
	_ =	strace $0x90000048  }
.LBB2_2:
0x10: {  	s19 =	sadd.s32 $0x1, s20  }
0x11: {  	p0 =	seq.s32 s19, s7  }
0x12: {  	s19 =	simm.s32 @p0 $0x0  }
0x13: {  	p3 =	slt.s32 s18, s9;
	p1 =	sne.s32 s20, s19  }
0x14: {  	p0 =	por !p3, !p1  }
0x15: {  	p0 =	por !p0, !p0  }
0x16: {  	s21 =	sadd.s32 @p0 s6, s19  }
0x17: {  	s22 =	sand.u32 @p0 $0x1, s17;
	s21 =	sshll.u32 @p0 s21, $0x4  }
0x18: {  	_ =	strace @p0 $0x80000049;
	s24 =	simm.s32 @p0 $0x0;
	s21 =	sand.u32 @p0 $0x1FFFFFF0, s21  }
0x19: {  	s23 =	sshll.u32 @p0 s22, $0x7;
	s22 =	sadd.s32 @p0 $0x1, s22;
	s21 =	sadd.s32 @p0 s2, s21  }
0x1a: {  	[tilespmem:s23], [sflag:s22] =	stream.linear.gather @p0 [hbm4b:s21+s24], $0x80, $0x200038;
	[tilespmem:$0x8100] =	vst v63  }
0x1b: {  	p2 =	seq.s32 s18, $0x0;
	s21 =	sor.u32 s9, s20  }
0x1c: {  	p3 =	seq.s32 @!p2 s21, $0x0  }
0x1d: {  	p2 =	por p2, !p3  }
0x1e: {  	_ =	strace @p0 $0x90000049;
	s22 =	sand.u32 @p2 $0x1, s16  }
0x1f: {  	_ =	strace @p2 $0x8000004A;
	s22 =	sadd.s32 @p2 $0x1, s22  }
0x20: {  	s31 =	sshll.u32 s16, $0x7;
	_ =	swait.ge @p2 [sflag:s22], $0x80  }
0x21: {  	p4 =	seq.s32 s9, s18;
	p6 =	sne.s32 s18, $0x0;
	[sflag:s22] =	ssyncset.done @p2 $0x0  }
0x22: {  	p1 =	por p4, p1;
	[sflag:s22] =	ssyncadd.s32 @p2 $0xFFFFFF80;
	s22 =	sand.u32 $0x1, s15  }
0x23: {  	s24 =	sand.u32 $0x80, s31;
	_ =	strace @p2 $0x9000004A;
	s30 =	sshll.u32 s22, $0xE  }
0x24: {  	s20 =	sadd.s32 s6, s20;
	_ =	strace $0x8000004B;
	s23 =	sor.u32 $0x100, s30  }
0x25: {  	[tilespmem:s23], [sflag:$0x5] =	stream.indirect.gather [hbm4b:s1+s11], $0x80, s24, s11, $0x2000b8;
	[tilespmem:$0x8100] =	vst v63  }
0x26: {  	p5 =	sne.s32 s21, $0x0;
	s20 =	sshll.u32 @p1 s20, $0xB;
	_ =	swait.ge [sflag:s12], $0x4000  }
0x27: {  	s21 =	simm.s32 $0x1;
	s20 =	sand.u32 @p1 $0x1FFFF800, s20;
	[sflag:s12] =	ssyncset.done $0x0  }
0x28: {  	s21 =	simm.s32 @!p0 $0x0;
	s20 =	sadd.s32 @p1 s3, s20;
	[sflag:s12] =	ssyncadd.s32 $0xFFFFC000  }
0x29: {  	p2 =	por !p6, !p5;
	s22 =	sadd.s32 @p1 $0x3, s22;
	_ =	strace $0x9000004B  }
0x2a: {  	p0 =	por !p2, !p2;
	s24 =	simm.s32 @p1 $0x0;
	_ =	strace @p1 $0x8000004C  }
0x2b: {  	[hbm4b:s20+s24] =	stream.linear.scatter @p1 [tilespmem:s23], [sflag:s22], $0x4000, $0x200038;
	[tilespmem:$0x8100] =	vst v63  }
0x2c: {  	s18 =	sadd.s32 $0x1, s18;
	s20 =	simm.s32 $0x1;
	s22 =	sand.u32 @p0 $0x1, s14  }
0x2d: {  	_ =	strace @p1 $0x9000004C;
	s20 =	simm.s32 @!p1 $0x0;
	p1 =	sne.s32 s7, s18  }
.Ltmp0:
0x2e: {  	s22 =	sadd.s32 @p0 $0x3, s22;
	_ =	strace @p0 $0x8000004D;
	(pc) =	sbr.rel @p1 .LBB2_2-.Ltmp0, $4  }
0x2f: {  	s17 =	sadd.s32 s21, s17;
	s21 =	simm.s32 $0x1;
	_ =	swait.ge @p0 [sflag:s22], $0x4000  }
0x30: {  	s21 =	simm.s32 @!p0 $0x0;
	[sflag:s22] =	ssyncset.done @p0 $0x0  }
0x31: {  	s14 =	sadd.s32 s21, s14;
	s15 =	sadd.s32 s20, s15;
	[sflag:s22] =	ssyncadd.s32 @p0 $0xFFFFC000  }
0x32: {  	s16 =	sadd.s32 s20, s16;
	s20 =	smov.u32 s19;
	_ =	strace @p0 $0x9000004D  }
0x33: {  	s13 =	sadd.s32 $0x1, s13  }
0x34: {  	s14 =	sand.u32 $0x1, s14;
	p0 =	sne.s32 s13, s10  }
.Ltmp1:
0x35: {  	_ =	strace $0x8000004E;
	s14 =	sadd.s32 $0x3, s14;
	(pc) =	sbr.rel @p0 .LBB2_1-.Ltmp1, $4  }
0x36: {  	_ =	swait.ge [sflag:s14], $0x4000  }
0x37: {  	[sflag:s14] =	ssyncset.done $0x0  }
0x38: {  	[sflag:s14] =	ssyncadd.s32 $0xFFFFC000  }
0x39: {  	_ =	strace $0x9000004E  }
0x3a: {  	_ =	sfence.sel $0x180000  }
0x3b: {  	[bflag:$0x0] =	sbarrier.arrive $0xFFFF  }
0x3c: {  	p0 =	sne.s32 s4, $0x0;
	_ =	strace $0x90000047  }
0x3d: {  	s0 =	sadd.s32 @!p0 $0x100000, s0;
	[bflag:$0x2] =	sbarrier.arrive $0xFFFF  }
0x3e: {  	[sflag:s0] =	ssyncadd.tile.s32 @!p0 $0x1;
	_ =	shalt  }
.Lfunc_end2:
_tile_overlayer_lowered:
.L_overlay_start_2:
0x3f: {  	(tag) =	ssettag $0x2  }
0x40: {  	s0 =	rddreg [dreg:$0x0];
	s2 =	stileid.u32  }
0x41: {  	s1 =	rddreg [dreg:$0x1];
	p0 =	sne.s32 s2, $0x0  }
0x42: {  	s3 =	rddreg [dreg:$0x2];
	[bflag:$0x3] =	sbarrier.arrive $0xFFFF;
	s2 =	simm.s32 @!p0 $0x1C01  }
0x43: {  	[timem:s3], [sflag:s2] =	dma.local @!p0 [hbm:s0], s1  }
0x44: {  	s0 =	simm.s32 @!p0 $0x1  }
0x45: {  	_ =	swait.ge @!p0 [sflag:s0], s1  }
0x46: {  	s1 =	ssub.s32 @!p0 $0x0, s1;
	[sflag:s0] =	ssyncset.done @!p0 $0x0  }
0x47: {  	[sflag:s0] =	ssyncadd.s32 @!p0 s1  }
0x48: {  	[bflag:$0x3] =	sbarrier.arrive $0xFFFF  }
0x49: {  	_ =	shalt  }

</sc_bundles>
